<compile_context>
chip_gen: v7x
topology: tpu7x:2x2x1
jax: 0.10.2.dev20260603
libtpu: 0.0.44.dev20260713+nightly
codegen_flags: <defaults>
</compile_context>

<pallas_src>
import functools

import jax
import jax.numpy as jnp
from jax import lax
from jax.experimental import pallas as pl
from jax.experimental.pallas import tpu as pltpu
from jax.experimental.pallas import tpu_sc as plsc

B = 16384
L = 200
V = 5045
D = 50
VPAD = 5056
VREP = 1

NC, NS, LANES = 2, 16, 16
NW = NC * NS
ROWS_PER_W = B // NW

CHUNK = 64
NCHUNK = ROWS_PER_W // CHUNK
NBUF = 2
RUNROLL = 4


def _fold_head_body(table_ref, w_ref, b_ref, v_ref):
    t = table_ref[...]
    w = w_ref[...]
    s = jax.lax.dot_general(t, w, (((1,), (1,)), ((), ())),
                            preferred_element_type=jnp.float32)
    v = s * (1.0 / L) + b_ref[0] * (1.0 / L)
    v_ref[...] = jnp.broadcast_to(v, (VPAD, VREP))


def _fold_head(table, w, b):
    tpad = jnp.zeros((VPAD, D), jnp.float32).at[:V].set(table)
    v2d = pl.pallas_call(
        _fold_head_body,
        out_shape=jax.ShapeDtypeStruct((VPAD, VREP), jnp.float32),
        in_specs=[
            pl.BlockSpec(memory_space=pltpu.VMEM),
            pl.BlockSpec(memory_space=pltpu.VMEM),
            pl.BlockSpec(memory_space=pltpu.SMEM),
        ],
        out_specs=pl.BlockSpec(memory_space=pltpu.VMEM),
    )(tpad, w, b)
    return v2d.reshape(VPAD * VREP)


def _sc_body(x_hbm, v_hbm, out_hbm, x_v, v_v, o_v, sem_v, sem_x0, sem_x1):
    wid = lax.axis_index("s") * NC + lax.axis_index("c")
    row0 = wid * ROWS_PER_W
    sems = (sem_x0, sem_x1)

    cp_v = pltpu.make_async_copy(v_hbm, v_v, sem_v)
    cp_v.start()

    def x_copy(c, b):
        return pltpu.make_async_copy(
            x_hbm.at[pl.ds(row0 + c * CHUNK, CHUNK), :], x_v.at[b], sems[b])

    for b in range(NBUF):
        x_copy(b, b).start()
    cp_v.wait()

    lane = lax.iota(jnp.int32, LANES)
    lanec = lax.bitwise_and(lane, jnp.int32(VREP - 1))
    last_lane = lane == (LANES - 1)
    tailf = jnp.where(lane >= 8, jnp.float32(1.0), jnp.float32(0.0))

    col_starts = [16 * k for k in range(12)] + [184]

    def v4_gather(xi):
        if VREP == 1:
            return plsc.load_gather(v_v, [xi])
        vshift = VREP.bit_length() - 1
        return plsc.load_gather(
            v_v, [lax.bitwise_or(lax.shift_left(xi, vshift), lanec)])

    @pl.loop(0, NCHUNK, step=NBUF)
    def _chunk(c0):
        for b in range(NBUF):
            c = c0 + b
            x_copy(c, b).wait()

            @pl.loop(0, CHUNK, step=RUNROLL)
            def _row(r0):
                for u in range(RUNROLL):
                    r = r0 + u
                    parts = []
                    for k, col in enumerate(col_starts):
                        xi = x_v[b, r, pl.ds(col, LANES)]
                        vals = v4_gather(xi)
                        if k == len(col_starts) - 1:
                            vals = vals * tailf
                        parts.append(vals)
                    while len(parts) > 1:
                        parts = [p0 + p1 for p0, p1 in
                                 zip(parts[0::2], parts[1::2])] + (
                                     [parts[-1]] if len(parts) % 2 else [])
                    tot = plsc.cumsum(parts[0])
                    oi = jnp.full((LANES,), c * CHUNK + r, jnp.int32)
                    plsc.store_scatter(o_v, [oi], tot, mask=last_lane)

            @pl.when(c + NBUF < NCHUNK)
            def _prefetch():
                x_copy(c + NBUF, b).start()

    pltpu.sync_copy(o_v, out_hbm.at[pl.ds(row0, ROWS_PER_W)])


@functools.cache
def _sc_gather_sum():
    return pl.kernel(
        _sc_body,
        out_type=jax.ShapeDtypeStruct((B,), jnp.float32),
        mesh=plsc.VectorSubcoreMesh(core_axis_name="c", subcore_axis_name="s"),
        compiler_params=pltpu.CompilerParams(needs_layout_passes=False),
        scratch_types=[
            pltpu.VMEM((NBUF, CHUNK, L), jnp.int32),
            pltpu.VMEM((VPAD * VREP,), jnp.float32),
            pltpu.VMEM((ROWS_PER_W,), jnp.float32),
            pltpu.SemaphoreType.DMA,
            pltpu.SemaphoreType.DMA,
            pltpu.SemaphoreType.DMA,
        ],
    )


@jax.jit
def kernel(x, table, W, b):
    v = _fold_head(table.astype(jnp.float32), W.astype(jnp.float32),
                   b.astype(jnp.float32))
    out = _sc_gather_sum()(x.astype(jnp.int32), v)
    return out.reshape(B, 1)

# --- scband reference (transcript-rebuilt; emitter-appended) ---
"""Pipeline reference for scband-movie-42846593745164 (READ-ONLY COPY).

The authoritative reference and input builder live on the scoring server;
editing this copy changes nothing except your own understanding.
"""

import jax, jax.numpy as jnp
import numpy as np


def setup_inputs(seed: int = 0) -> dict:
    key = jax.random.key(seed)
    k_x, k_emb, k_w, k_b = jax.random.split(key, 4)
    x = jax.random.randint(k_x, (16384, 200), 0, 5045, dtype=jnp.int64)
    table = jax.random.normal(k_emb, (5045, 50), dtype=jnp.float32)
    W = jax.random.normal(k_w, (1, 50), dtype=jnp.float32) * (1.0 / np.sqrt(50.0))
    b = jax.random.normal(k_b, (1,), dtype=jnp.float32) * 0.01
    return {"x": x, "table": table, "W": W, "b": b}


def reference(x, table, W, b):
    # embedding lookup: gather rows of the table
    embedded = jnp.take(table, x, axis=0)          # [B, L, 50]
    pooled = jnp.mean(embedded, axis=1)            # [B, 50]
    out = pooled @ W.T + b                         # [B, 1]
    return out

if __name__ == "__main__":
    import jax
    _d = setup_inputs()
    print(jax.jit(kernel)(*tuple(_d.values())))

</pallas_src>

<mosaic_0001>
#map = affine_map<(d0, d1) -> (0, 0)>
#map1 = affine_map<(d0, d1) -> (0)>
module attributes {stable_mosaic.version = 14 : i64} {
  func.func @_sc_body(%arg0: i32, %arg1: i32, %arg2: memref<16384x200xi32, #tpu.memory_space<hbm>>, %arg3: memref<5056xf32, #tpu.memory_space<hbm>>, %arg4: memref<16384xf32, #tpu.memory_space<hbm>>, %arg5: memref<2x64x200xi32, #tpu.memory_space<vmem>>, %arg6: memref<5056xf32, #tpu.memory_space<vmem>>, %arg7: memref<512xf32, #tpu.memory_space<vmem>>, %arg8: memref<!tpu.dma_semaphore, #tpu.memory_space<semaphore_mem>>, %arg9: memref<!tpu.dma_semaphore, #tpu.memory_space<semaphore_mem>>, %arg10: memref<!tpu.dma_semaphore, #tpu.memory_space<semaphore_mem>>) attributes {dimension_semantics = [#tpu.dimension_semantics<core_parallel>, #tpu.dimension_semantics<subcore_parallel>], iteration_bounds = array<i64: 2, 16>, scalar_prefetch = 0 : i64, scratch_operands = 6 : i64, tpu.core_type = #tpu.core_type<sc_vector_subcore>, window_params = [{transform_indices = #map}, {transform_indices = #map1}, {transform_indices = #map1}]} {
    %mul3A = arith.constant 2 : i32
    %mul3A_0 = arith.muli %arg1, %mul3A : i32
    %add3A = arith.addi %mul3A_0, %arg0 : i32
    %mul3A_1 = arith.constant 512 : i32
    %mul3A_2 = arith.muli %add3A, %mul3A_1 : i32
    tpu.enqueue_dma source(%arg3 : memref<5056xf32, #tpu.memory_space<hbm>>) target(%arg6 : memref<5056xf32, #tpu.memory_space<vmem>>) target_semaphore(%arg8 : memref<!tpu.dma_semaphore, #tpu.memory_space<semaphore_mem>>)
    %add3A_3 = arith.constant 0 : i32
    %add3A_4 = arith.addi %mul3A_2, %add3A_3 : i32
    %dma_start3A = arith.constant 0 : i32
    %dma_start3A_5 = arith.constant 0 : i32
    %dma_start3A_6 = arith.constant 0 : i32
    %dma_start3A_7 = tpu.memref_slice %arg5[%dma_start3A, %dma_start3A_5, %dma_start3A_6] : memref<2x64x200xi32, #tpu.memory_space<vmem>> -> memref<1x64x200xi32, #tpu.memory_space<vmem>>
    %dma_start3A_8 = tpu.memref_squeeze %dma_start3A_7 : memref<1x64x200xi32, #tpu.memory_space<vmem>> -> memref<64x200xi32, #tpu.memory_space<vmem>>
    %dma_start3A_9 = arith.constant 0 : i32
    %dma_start3A_10 = tpu.memref_slice %arg2[%add3A_4, %dma_start3A_9] : memref<16384x200xi32, #tpu.memory_space<hbm>> -> memref<64x200xi32, #tpu.memory_space<hbm>>
    %dma_start3A_11 = arith.constant 0 : i32
    %dma_start3A_12 = arith.constant 0 : i32
    %dma_start3A_13 = tpu.memref_slice %arg5[%dma_start3A, %dma_start3A_11, %dma_start3A_12] : memref<2x64x200xi32, #tpu.memory_space<vmem>> -> memref<1x64x200xi32, #tpu.memory_space<vmem>>
    %dma_start3A_14 = tpu.memref_squeeze %dma_start3A_13 : memref<1x64x200xi32, #tpu.memory_space<vmem>> -> memref<64x200xi32, #tpu.memory_space<vmem>>
    %dma_start3A_15 = arith.constant 0 : i32
    %dma_start3A_16 = tpu.memref_slice %arg2[%add3A_4, %dma_start3A_15] : memref<16384x200xi32, #tpu.memory_space<hbm>> -> memref<64x200xi32, #tpu.memory_space<hbm>>
    tpu.enqueue_dma source(%dma_start3A_16 : memref<64x200xi32, #tpu.memory_space<hbm>>) target(%dma_start3A_14 : memref<64x200xi32, #tpu.memory_space<vmem>>) target_semaphore(%arg9 : memref<!tpu.dma_semaphore, #tpu.memory_space<semaphore_mem>>)
    %add3A_17 = arith.constant 64 : i32
    %add3A_18 = arith.addi %mul3A_2, %add3A_17 : i32
    %dma_start3A_19 = arith.constant 1 : i32
    %dma_start3A_20 = arith.constant 0 : i32
    %dma_start3A_21 = arith.constant 0 : i32
    %dma_start3A_22 = tpu.memref_slice %arg5[%dma_start3A_19, %dma_start3A_20, %dma_start3A_21] : memref<2x64x200xi32, #tpu.memory_space<vmem>> -> memref<1x64x200xi32, #tpu.memory_space<vmem>>
    %dma_start3A_23 = tpu.memref_squeeze %dma_start3A_22 : memref<1x64x200xi32, #tpu.memory_space<vmem>> -> memref<64x200xi32, #tpu.memory_space<vmem>>
    %dma_start3A_24 = arith.constant 0 : i32
    %dma_start3A_25 = tpu.memref_slice %arg2[%add3A_18, %dma_start3A_24] : memref<16384x200xi32, #tpu.memory_space<hbm>> -> memref<64x200xi32, #tpu.memory_space<hbm>>
    %dma_start3A_26 = arith.constant 0 : i32
    %dma_start3A_27 = arith.constant 0 : i32
    %dma_start3A_28 = tpu.memref_slice %arg5[%dma_start3A_19, %dma_start3A_26, %dma_start3A_27] : memref<2x64x200xi32, #tpu.memory_space<vmem>> -> memref<1x64x200xi32, #tpu.memory_space<vmem>>
    %dma_start3A_29 = tpu.memref_squeeze %dma_start3A_28 : memref<1x64x200xi32, #tpu.memory_space<vmem>> -> memref<64x200xi32, #tpu.memory_space<vmem>>
    %dma_start3A_30 = arith.constant 0 : i32
    %dma_start3A_31 = tpu.memref_slice %arg2[%add3A_18, %dma_start3A_30] : memref<16384x200xi32, #tpu.memory_space<hbm>> -> memref<64x200xi32, #tpu.memory_space<hbm>>
    tpu.enqueue_dma source(%dma_start3A_31 : memref<64x200xi32, #tpu.memory_space<hbm>>) target(%dma_start3A_29 : memref<64x200xi32, #tpu.memory_space<vmem>>) target_semaphore(%arg10 : memref<!tpu.dma_semaphore, #tpu.memory_space<semaphore_mem>>)
    tpu.wait_dma2 semaphore(%arg8 : memref<!tpu.dma_semaphore, #tpu.memory_space<semaphore_mem>>) src(%arg3 : memref<5056xf32, #tpu.memory_space<hbm>>) dst(%arg6 : memref<5056xf32, #tpu.memory_space<vmem>>)
    %iota3A = tpu.iota {dimensions = array<i32: 0>} : vector<16xi32>
    %and3A = arith.constant 0 : i32
    %and3A_32 = vector.broadcast %and3A : i32 to vector<16xi32>
    %and3A_33 = arith.andi %iota3A, %and3A_32 : vector<16xi32>
    %eq3A = arith.constant 15 : i32
    %eq3A_34 = vector.broadcast %eq3A : i32 to vector<16xi32>
    %eq3A_35 = arith.cmpi eq, %iota3A, %eq3A_34 : vector<16xi32>
    %ge3A = arith.constant 8 : i32
    %ge3A_36 = vector.broadcast %ge3A : i32 to vector<16xi32>
    %ge3A_37 = arith.cmpi sge, %iota3A, %ge3A_36 : vector<16xi32>
    %jit3A = arith.constant 1.000000e+00 : f32
    %jit3A_38 = arith.constant 0.000000e+00 : f32
    %broadcast_in_dim3A = vector.broadcast %jit3A : f32 to vector<16xf32>
    %broadcast_in_dim3A_39 = vector.broadcast %jit3A_38 : f32 to vector<16xf32>
    %select_n3A = arith.select %ge3A_37, %broadcast_in_dim3A, %broadcast_in_dim3A_39 : vector<16xi1>, vector<16xf32>
    %scan3A = arith.constant 0 : i32
    %scan3A_40 = arith.constant 4 : i32
    %scan3A_41 = arith.addi %scan3A, %scan3A_40 : i32
    %scan3A_42 = arith.constant 1 : i32
    scf.for %scan3A_44 = %scan3A to %scan3A_41 step %scan3A_42  : i32 {
      %mul3A_45 = arith.constant 2 : i32
      %mul3A_46 = arith.muli %scan3A_44, %mul3A_45 : i32
      %add3A_47 = arith.constant 0 : i32
      %add3A_48 = arith.addi %add3A_47, %mul3A_46 : i32
      %add3A_49 = arith.constant 0 : i32
      %add3A_50 = arith.addi %add3A_48, %add3A_49 : i32
      %mul3A_51 = arith.constant 64 : i32
      %mul3A_52 = arith.muli %add3A_50, %mul3A_51 : i32
      %add3A_53 = arith.addi %mul3A_2, %mul3A_52 : i32
      %dma_wait3A = arith.constant 0 : i32
      %dma_wait3A_54 = arith.constant 0 : i32
      %dma_wait3A_55 = arith.constant 0 : i32
      %dma_wait3A_56 = tpu.memref_slice %arg5[%dma_wait3A, %dma_wait3A_54, %dma_wait3A_55] : memref<2x64x200xi32, #tpu.memory_space<vmem>> -> memref<1x64x200xi32, #tpu.memory_space<vmem>>
      %dma_wait3A_57 = tpu.memref_squeeze %dma_wait3A_56 : memref<1x64x200xi32, #tpu.memory_space<vmem>> -> memref<64x200xi32, #tpu.memory_space<vmem>>
      %dma_wait3A_58 = arith.constant 0 : i32
      %dma_wait3A_59 = tpu.memref_slice %arg2[%add3A_53, %dma_wait3A_58] : memref<16384x200xi32, #tpu.memory_space<hbm>> -> memref<64x200xi32, #tpu.memory_space<hbm>>
      %dma_wait3A_60 = arith.constant 0 : i32
      %dma_wait3A_61 = arith.constant 0 : i32
      %dma_wait3A_62 = tpu.memref_slice %arg5[%dma_wait3A, %dma_wait3A_60, %dma_wait3A_61] : memref<2x64x200xi32, #tpu.memory_space<vmem>> -> memref<1x64x200xi32, #tpu.memory_space<vmem>>
      %dma_wait3A_63 = tpu.memref_squeeze %dma_wait3A_62 : memref<1x64x200xi32, #tpu.memory_space<vmem>> -> memref<64x200xi32, #tpu.memory_space<vmem>>
      %dma_wait3A_64 = arith.constant 0 : i32
      %dma_wait3A_65 = tpu.memref_slice %arg2[%add3A_53, %dma_wait3A_64] : memref<16384x200xi32, #tpu.memory_space<hbm>> -> memref<64x200xi32, #tpu.memory_space<hbm>>
      tpu.wait_dma2 semaphore(%arg9 : memref<!tpu.dma_semaphore, #tpu.memory_space<semaphore_mem>>) src(%dma_wait3A_65 : memref<64x200xi32, #tpu.memory_space<hbm>>) dst(%dma_wait3A_63 : memref<64x200xi32, #tpu.memory_space<vmem>>)
      %scan3A_66 = arith.constant 0 : i32
      %scan3A_67 = arith.constant 16 : i32
      %scan3A_68 = arith.addi %scan3A_66, %scan3A_67 : i32
      %scan3A_69 = arith.constant 1 : i32
      scf.for %scan3A_105 = %scan3A_66 to %scan3A_68 step %scan3A_69  : i32 {
        %mul3A_106 = arith.constant 4 : i32
        %mul3A_107 = arith.muli %scan3A_105, %mul3A_106 : i32
        %add3A_108 = arith.constant 0 : i32
        %add3A_109 = arith.addi %add3A_108, %mul3A_107 : i32
        %add3A_110 = arith.constant 0 : i32
        %add3A_111 = arith.addi %add3A_109, %add3A_110 : i32
        %get3A = arith.constant 0 : i32
        %get3A_112 = arith.index_cast %get3A : i32 to index
        %get3A_113 = arith.index_cast %add3A_111 : i32 to index
        %get3A_114 = arith.constant 0 : index
        %get3A_115 = tpu.vector_load %arg5[%get3A_112, %get3A_113, %get3A_114] {strides = array<i32>} : memref<2x64x200xi32, #tpu.memory_space<vmem>>, vector<16xi32>,
        %gather3A = tpu.vector_load_idx %arg6[%get3A_115] : memref<5056xf32, #tpu.memory_space<vmem>>[vector<16xi32>], vector<16xf32>,
        %get3A_116 = arith.constant 0 : i32
        %get3A_117 = arith.index_cast %get3A_116 : i32 to index
        %get3A_118 = arith.index_cast %add3A_111 : i32 to index
        %get3A_119 = arith.constant 16 : index
        %get3A_120 = tpu.vector_load %arg5[%get3A_117, %get3A_118, %get3A_119] {strides = array<i32>} : memref<2x64x200xi32, #tpu.memory_space<vmem>>, vector<16xi32>,
        %gather3A_121 = tpu.vector_load_idx %arg6[%get3A_120] : memref<5056xf32, #tpu.memory_space<vmem>>[vector<16xi32>], vector<16xf32>,
        %get3A_122 = arith.constant 0 : i32
        %get3A_123 = arith.index_cast %get3A_122 : i32 to index
        %get3A_124 = arith.index_cast %add3A_111 : i32 to index
        %get3A_125 = arith.constant 32 : index
        %get3A_126 = tpu.vector_load %arg5[%get3A_123, %get3A_124, %get3A_125] {strides = array<i32>} : memref<2x64x200xi32, #tpu.memory_space<vmem>>, vector<16xi32>,
        %gather3A_127 = tpu.vector_load_idx %arg6[%get3A_126] : memref<5056xf32, #tpu.memory_space<vmem>>[vector<16xi32>], vector<16xf32>,
        %get3A_128 = arith.constant 0 : i32
        %get3A_129 = arith.index_cast %get3A_128 : i32 to index
        %get3A_130 = arith.index_cast %add3A_111 : i32 to index
        %get3A_131 = arith.constant 48 : index
        %get3A_132 = tpu.vector_load %arg5[%get3A_129, %get3A_130, %get3A_131] {strides = array<i32>} : memref<2x64x200xi32, #tpu.memory_space<vmem>>, vector<16xi32>,
        %gather3A_133 = tpu.vector_load_idx %arg6[%get3A_132] : memref<5056xf32, #tpu.memory_space<vmem>>[vector<16xi32>], vector<16xf32>,
        %get3A_134 = arith.constant 0 : i32
        %get3A_135 = arith.index_cast %get3A_134 : i32 to index
        %get3A_136 = arith.index_cast %add3A_111 : i32 to index
        %get3A_137 = arith.constant 64 : index
        %get3A_138 = tpu.vector_load %arg5[%get3A_135, %get3A_136, %get3A_137] {strides = array<i32>} : memref<2x64x200xi32, #tpu.memory_space<vmem>>, vector<16xi32>,
        %gather3A_139 = tpu.vector_load_idx %arg6[%get3A_138] : memref<5056xf32, #tpu.memory_space<vmem>>[vector<16xi32>], vector<16xf32>,
        %get3A_140 = arith.constant 0 : i32
        %get3A_141 = arith.index_cast %get3A_140 : i32 to index
        %get3A_142 = arith.index_cast %add3A_111 : i32 to index
        %get3A_143 = arith.constant 80 : index
        %get3A_144 = tpu.vector_load %arg5[%get3A_141, %get3A_142, %get3A_143] {strides = array<i32>} : memref<2x64x200xi32, #tpu.memory_space<vmem>>, vector<16xi32>,
        %gather3A_145 = tpu.vector_load_idx %arg6[%get3A_144] : memref<5056xf32, #tpu.memory_space<vmem>>[vector<16xi32>], vector<16xf32>,
        %get3A_146 = arith.constant 0 : i32
        %get3A_147 = arith.index_cast %get3A_146 : i32 to index
        %get3A_148 = arith.index_cast %add3A_111 : i32 to index
        %get3A_149 = arith.constant 96 : index
        %get3A_150 = tpu.vector_load %arg5[%get3A_147, %get3A_148, %get3A_149] {strides = array<i32>} : memref<2x64x200xi32, #tpu.memory_space<vmem>>, vector<16xi32>,
        %gather3A_151 = tpu.vector_load_idx %arg6[%get3A_150] : memref<5056xf32, #tpu.memory_space<vmem>>[vector<16xi32>], vector<16xf32>,
        %get3A_152 = arith.constant 0 : i32
        %get3A_153 = arith.index_cast %get3A_152 : i32 to index
        %get3A_154 = arith.index_cast %add3A_111 : i32 to index
        %get3A_155 = arith.constant 112 : index
        %get3A_156 = tpu.vector_load %arg5[%get3A_153, %get3A_154, %get3A_155] {strides = array<i32>} : memref<2x64x200xi32, #tpu.memory_space<vmem>>, vector<16xi32>,
        %gather3A_157 = tpu.vector_load_idx %arg6[%get3A_156] : memref<5056xf32, #tpu.memory_space<vmem>>[vector<16xi32>], vector<16xf32>,
        %get3A_158 = arith.constant 0 : i32
        %get3A_159 = arith.index_cast %get3A_158 : i32 to index
        %get3A_160 = arith.index_cast %add3A_111 : i32 to index
        %get3A_161 = arith.constant 128 : index
        %get3A_162 = tpu.vector_load %arg5[%get3A_159, %get3A_160, %get3A_161] {strides = array<i32>} : memref<2x64x200xi32, #tpu.memory_space<vmem>>, vector<16xi32>,
        %gather3A_163 = tpu.vector_load_idx %arg6[%get3A_162] : memref<5056xf32, #tpu.memory_space<vmem>>[vector<16xi32>], vector<16xf32>,
        %get3A_164 = arith.constant 0 : i32
        %get3A_165 = arith.index_cast %get3A_164 : i32 to index
        %get3A_166 = arith.index_cast %add3A_111 : i32 to index
        %get3A_167 = arith.constant 144 : index
        %get3A_168 = tpu.vector_load %arg5[%get3A_165, %get3A_166, %get3A_167] {strides = array<i32>} : memref<2x64x200xi32, #tpu.memory_space<vmem>>, vector<16xi32>,
        %gather3A_169 = tpu.vector_load_idx %arg6[%get3A_168] : memref<5056xf32, #tpu.memory_space<vmem>>[vector<16xi32>], vector<16xf32>,
        %get3A_170 = arith.constant 0 : i32
        %get3A_171 = arith.index_cast %get3A_170 : i32 to index
        %get3A_172 = arith.index_cast %add3A_111 : i32 to index
        %get3A_173 = arith.constant 160 : index
        %get3A_174 = tpu.vector_load %arg5[%get3A_171, %get3A_172, %get3A_173] {strides = array<i32>} : memref<2x64x200xi32, #tpu.memory_space<vmem>>, vector<16xi32>,
        %gather3A_175 = tpu.vector_load_idx %arg6[%get3A_174] : memref<5056xf32, #tpu.memory_space<vmem>>[vector<16xi32>], vector<16xf32>,
        %get3A_176 = arith.constant 0 : i32
        %get3A_177 = arith.index_cast %get3A_176 : i32 to index
        %get3A_178 = arith.index_cast %add3A_111 : i32 to index
        %get3A_179 = arith.constant 176 : index
        %get3A_180 = tpu.vector_load %arg5[%get3A_177, %get3A_178, %get3A_179] {strides = array<i32>} : memref<2x64x200xi32, #tpu.memory_space<vmem>>, vector<16xi32>,
        %gather3A_181 = tpu.vector_load_idx %arg6[%get3A_180] : memref<5056xf32, #tpu.memory_space<vmem>>[vector<16xi32>], vector<16xf32>,
        %get3A_182 = arith.constant 0 : i32
        %get3A_183 = arith.index_cast %get3A_182 : i32 to index
        %get3A_184 = arith.index_cast %add3A_111 : i32 to index
        %get3A_185 = arith.constant 184 : index
        %get3A_186 = tpu.vector_load %arg5[%get3A_183, %get3A_184, %get3A_185] {strides = array<i32>} : memref<2x64x200xi32, #tpu.memory_space<vmem>>, vector<16xi32>,
        %gather3A_187 = tpu.vector_load_idx %arg6[%get3A_186] : memref<5056xf32, #tpu.memory_space<vmem>>[vector<16xi32>], vector<16xf32>,
        %mul3A_188 = arith.mulf %gather3A_187, %select_n3A : vector<16xf32>
        %add3A_189 = arith.addf %gather3A, %gather3A_121 : vector<16xf32>
        %add3A_190 = arith.addf %gather3A_127, %gather3A_133 : vector<16xf32>
        %add3A_191 = arith.addf %gather3A_139, %gather3A_145 : vector<16xf32>
        %add3A_192 = arith.addf %gather3A_151, %gather3A_157 : vector<16xf32>
        %add3A_193 = arith.addf %gather3A_163, %gather3A_169 : vector<16xf32>
        %add3A_194 = arith.addf %gather3A_175, %gather3A_181 : vector<16xf32>
        %add3A_195 = arith.addf %add3A_189, %add3A_190 : vector<16xf32>
        %add3A_196 = arith.addf %add3A_191, %add3A_192 : vector<16xf32>
        %add3A_197 = arith.addf %add3A_193, %add3A_194 : vector<16xf32>
        %add3A_198 = arith.addf %add3A_195, %add3A_196 : vector<16xf32>
        %add3A_199 = arith.addf %add3A_197, %mul3A_188 : vector<16xf32>
        %add3A_200 = arith.addf %add3A_198, %add3A_199 : vector<16xf32>
        %broadcast_in_dim3A_201 = arith.constant true
        %broadcast_in_dim3A_202 = vector.broadcast %broadcast_in_dim3A_201 : i1 to vector<16xi1>
        %masked_cumsum3A = tpu.scan <sum>, %add3A_200 masked %broadcast_in_dim3A_202 : vector<16xf32>, vector<16xi1> -> vector<16xf32>
        %mul3A_203 = arith.constant 64 : i32
        %mul3A_204 = arith.muli %add3A_50, %mul3A_203 : i32
        %add3A_205 = arith.addi %mul3A_204, %add3A_111 : i32
        %broadcast_in_dim3A_206 = vector.broadcast %add3A_205 : i32 to vector<16xi32>
        tpu.vector_store_idx %arg7[%broadcast_in_dim3A_206], %masked_cumsum3A masked %eq3A_35 : memref<512xf32, #tpu.memory_space<vmem>>[vector<16xi32>], vector<16xf32>, vector<16xi1>
        %add3A_207 = arith.constant 1 : i32
        %add3A_208 = arith.addi %add3A_109, %add3A_207 : i32
        %get3A_209 = arith.constant 0 : i32
        %get3A_210 = arith.index_cast %get3A_209 : i32 to index
        %get3A_211 = arith.index_cast %add3A_208 : i32 to index
        %get3A_212 = arith.constant 0 : index
        %get3A_213 = tpu.vector_load %arg5[%get3A_210, %get3A_211, %get3A_212] {strides = array<i32>} : memref<2x64x200xi32, #tpu.memory_space<vmem>>, vector<16xi32>,
        %gather3A_214 = tpu.vector_load_idx %arg6[%get3A_213] : memref<5056xf32, #tpu.memory_space<vmem>>[vector<16xi32>], vector<16xf32>,
        %get3A_215 = arith.constant 0 : i32
        %get3A_216 = arith.index_cast %get3A_215 : i32 to index
        %get3A_217 = arith.index_cast %add3A_208 : i32 to index
        %get3A_218 = arith.constant 16 : index
        %get3A_219 = tpu.vector_load %arg5[%get3A_216, %get3A_217, %get3A_218] {strides = array<i32>} : memref<2x64x200xi32, #tpu.memory_space<vmem>>, vector<16xi32>,
        %gather3A_220 = tpu.vector_load_idx %arg6[%get3A_219] : memref<5056xf32, #tpu.memory_space<vmem>>[vector<16xi32>], vector<16xf32>,
        %get3A_221 = arith.constant 0 : i32
        %get3A_222 = arith.index_cast %get3A_221 : i32 to index
        %get3A_223 = arith.index_cast %add3A_208 : i32 to index
        %get3A_224 = arith.constant 32 : index
        %get3A_225 = tpu.vector_load %arg5[%get3A_222, %get3A_223, %get3A_224] {strides = array<i32>} : memref<2x64x200xi32, #tpu.memory_space<vmem>>, vector<16xi32>,
        %gather3A_226 = tpu.vector_load_idx %arg6[%get3A_225] : memref<5056xf32, #tpu.memory_space<vmem>>[vector<16xi32>], vector<16xf32>,
        %get3A_227 = arith.constant 0 : i32
        %get3A_228 = arith.index_cast %get3A_227 : i32 to index
        %get3A_229 = arith.index_cast %add3A_208 : i32 to index
        %get3A_230 = arith.constant 48 : index
        %get3A_231 = tpu.vector_load %arg5[%get3A_228, %get3A_229, %get3A_230] {strides = array<i32>} : memref<2x64x200xi32, #tpu.memory_space<vmem>>, vector<16xi32>,
        %gather3A_232 = tpu.vector_load_idx %arg6[%get3A_231] : memref<5056xf32, #tpu.memory_space<vmem>>[vector<16xi32>], vector<16xf32>,
        %get3A_233 = arith.constant 0 : i32
        %get3A_234 = arith.index_cast %get3A_233 : i32 to index
        %get3A_235 = arith.index_cast %add3A_208 : i32 to index
        %get3A_236 = arith.constant 64 : index
        %get3A_237 = tpu.vector_load %arg5[%get3A_234, %get3A_235, %get3A_236] {strides = array<i32>} : memref<2x64x200xi32, #tpu.memory_space<vmem>>, vector<16xi32>,
        %gather3A_238 = tpu.vector_load_idx %arg6[%get3A_237] : memref<5056xf32, #tpu.memory_space<vmem>>[vector<16xi32>], vector<16xf32>,
        %get3A_239 = arith.constant 0 : i32
        %get3A_240 = arith.index_cast %get3A_239 : i32 to index
        %get3A_241 = arith.index_cast %add3A_208 : i32 to index
        %get3A_242 = arith.constant 80 : index
        %get3A_243 = tpu.vector_load %arg5[%get3A_240, %get3A_241, %get3A_242] {strides = array<i32>} : memref<2x64x200xi32, #tpu.memory_space<vmem>>, vector<16xi32>,
        %gather3A_244 = tpu.vector_load_idx %arg6[%get3A_243] : memref<5056xf32, #tpu.memory_space<vmem>>[vector<16xi32>], vector<16xf32>,
        %get3A_245 = arith.constant 0 : i32
        %get3A_246 = arith.index_cast %get3A_245 : i32 to index
        %get3A_247 = arith.index_cast %add3A_208 : i32 to index
        %get3A_248 = arith.constant 96 : index
        %get3A_249 = tpu.vector_load %arg5[%get3A_246, %get3A_247, %get3A_248] {strides = array<i32>} : memref<2x64x200xi32, #tpu.memory_space<vmem>>, vector<16xi32>,
        %gather3A_250 = tpu.vector_load_idx %arg6[%get3A_249] : memref<5056xf32, #tpu.memory_space<vmem>>[vector<16xi32>], vector<16xf32>,
        %get3A_251 = arith.constant 0 : i32
        %get3A_252 = arith.index_cast %get3A_251 : i32 to index
        %get3A_253 = arith.index_cast %add3A_208 : i32 to index
        %get3A_254 = arith.constant 112 : index
        %get3A_255 = tpu.vector_load %arg5[%get3A_252, %get3A_253, %get3A_254] {strides = array<i32>} : memref<2x64x200xi32, #tpu.memory_space<vmem>>, vector<16xi32>,
        %gather3A_256 = tpu.vector_load_idx %arg6[%get3A_255] : memref<5056xf32, #tpu.memory_space<vmem>>[vector<16xi32>], vector<16xf32>,
        %get3A_257 = arith.constant 0 : i32
        %get3A_258 = arith.index_cast %get3A_257 : i32 to index
        %get3A_259 = arith.index_cast %add3A_208 : i32 to index
        %get3A_260 = arith.constant 128 : index
        %get3A_261 = tpu.vector_load %arg5[%get3A_258, %get3A_259, %get3A_260] {strides = array<i32>} : memref<2x64x200xi32, #tpu.memory_space<vmem>>, vector<16xi32>,
        %gather3A_262 = tpu.vector_load_idx %arg6[%get3A_261] : memref<5056xf32, #tpu.memory_space<vmem>>[vector<16xi32>], vector<16xf32>,
        %get3A_263 = arith.constant 0 : i32
        %get3A_264 = arith.index_cast %get3A_263 : i32 to index
        %get3A_265 = arith.index_cast %add3A_208 : i32 to index
        %get3A_266 = arith.constant 144 : index
        %get3A_267 = tpu.vector_load %arg5[%get3A_264, %get3A_265, %get3A_266] {strides = array<i32>} : memref<2x64x200xi32, #tpu.memory_space<vmem>>, vector<16xi32>,
        %gather3A_268 = tpu.vector_load_idx %arg6[%get3A_267] : memref<5056xf32, #tpu.memory_space<vmem>>[vector<16xi32>], vector<16xf32>,
        %get3A_269 = arith.constant 0 : i32
        %get3A_270 = arith.index_cast %get3A_269 : i32 to index
        %get3A_271 = arith.index_cast %add3A_208 : i32 to index
        %get3A_272 = arith.constant 160 : index
        %get3A_273 = tpu.vector_load %arg5[%get3A_270, %get3A_271, %get3A_272] {strides = array<i32>} : memref<2x64x200xi32, #tpu.memory_space<vmem>>, vector<16xi32>,
        %gather3A_274 = tpu.vector_load_idx %arg6[%get3A_273] : memref<5056xf32, #tpu.memory_space<vmem>>[vector<16xi32>], vector<16xf32>,
        %get3A_275 = arith.constant 0 : i32
        %get3A_276 = arith.index_cast %get3A_275 : i32 to index
        %get3A_277 = arith.index_cast %add3A_208 : i32 to index
        %get3A_278 = arith.constant 176 : index
        %get3A_279 = tpu.vector_load %arg5[%get3A_276, %get3A_277, %get3A_278] {strides = array<i32>} : memref<2x64x200xi32, #tpu.memory_space<vmem>>, vector<16xi32>,
        %gather3A_280 = tpu.vector_load_idx %arg6[%get3A_279] : memref<5056xf32, #tpu.memory_space<vmem>>[vector<16xi32>], vector<16xf32>,
        %get3A_281 = arith.constant 0 : i32
        %get3A_282 = arith.index_cast %get3A_281 : i32 to index
        %get3A_283 = arith.index_cast %add3A_208 : i32 to index
        %get3A_284 = arith.constant 184 : index
        %get3A_285 = tpu.vector_load %arg5[%get3A_282, %get3A_283, %get3A_284] {strides = array<i32>} : memref<2x64x200xi32, #tpu.memory_space<vmem>>, vector<16xi32>,
        %gather3A_286 = tpu.vector_load_idx %arg6[%get3A_285] : memref<5056xf32, #tpu.memory_space<vmem>>[vector<16xi32>], vector<16xf32>,
        %mul3A_287 = arith.mulf %gather3A_286, %select_n3A : vector<16xf32>
        %add3A_288 = arith.addf %gather3A_214, %gather3A_220 : vector<16xf32>
        %add3A_289 = arith.addf %gather3A_226, %gather3A_232 : vector<16xf32>
        %add3A_290 = arith.addf %gather3A_238, %gather3A_244 : vector<16xf32>
        %add3A_291 = arith.addf %gather3A_250, %gather3A_256 : vector<16xf32>
        %add3A_292 = arith.addf %gather3A_262, %gather3A_268 : vector<16xf32>
        %add3A_293 = arith.addf %gather3A_274, %gather3A_280 : vector<16xf32>
        %add3A_294 = arith.addf %add3A_288, %add3A_289 : vector<16xf32>
        %add3A_295 = arith.addf %add3A_290, %add3A_291 : vector<16xf32>
        %add3A_296 = arith.addf %add3A_292, %add3A_293 : vector<16xf32>
        %add3A_297 = arith.addf %add3A_294, %add3A_295 : vector<16xf32>
        %add3A_298 = arith.addf %add3A_296, %mul3A_287 : vector<16xf32>
        %add3A_299 = arith.addf %add3A_297, %add3A_298 : vector<16xf32>
        %broadcast_in_dim3A_300 = arith.constant true
        %broadcast_in_dim3A_301 = vector.broadcast %broadcast_in_dim3A_300 : i1 to vector<16xi1>
        %masked_cumsum3A_302 = tpu.scan <sum>, %add3A_299 masked %broadcast_in_dim3A_301 : vector<16xf32>, vector<16xi1> -> vector<16xf32>
        %mul3A_303 = arith.constant 64 : i32
        %mul3A_304 = arith.muli %add3A_50, %mul3A_303 : i32
        %add3A_305 = arith.addi %mul3A_304, %add3A_208 : i32
        %broadcast_in_dim3A_306 = vector.broadcast %add3A_305 : i32 to vector<16xi32>
        tpu.vector_store_idx %arg7[%broadcast_in_dim3A_306], %masked_cumsum3A_302 masked %eq3A_35 : memref<512xf32, #tpu.memory_space<vmem>>[vector<16xi32>], vector<16xf32>, vector<16xi1>
        %add3A_307 = arith.constant 2 : i32
        %add3A_308 = arith.addi %add3A_109, %add3A_307 : i32
        %get3A_309 = arith.constant 0 : i32
        %get3A_310 = arith.index_cast %get3A_309 : i32 to index
        %get3A_311 = arith.index_cast %add3A_308 : i32 to index
        %get3A_312 = arith.constant 0 : index
        %get3A_313 = tpu.vector_load %arg5[%get3A_310, %get3A_311, %get3A_312] {strides = array<i32>} : memref<2x64x200xi32, #tpu.memory_space<vmem>>, vector<16xi32>,
        %gather3A_314 = tpu.vector_load_idx %arg6[%get3A_313] : memref<5056xf32, #tpu.memory_space<vmem>>[vector<16xi32>], vector<16xf32>,
        %get3A_315 = arith.constant 0 : i32
        %get3A_316 = arith.index_cast %get3A_315 : i32 to index
        %get3A_317 = arith.index_cast %add3A_308 : i32 to index
        %get3A_318 = arith.constant 16 : index
        %get3A_319 = tpu.vector_load %arg5[%get3A_316, %get3A_317, %get3A_318] {strides = array<i32>} : memref<2x64x200xi32, #tpu.memory_space<vmem>>, vector<16xi32>,
        %gather3A_320 = tpu.vector_load_idx %arg6[%get3A_319] : memref<5056xf32, #tpu.memory_space<vmem>>[vector<16xi32>], vector<16xf32>,
        %get3A_321 = arith.constant 0 : i32
        %get3A_322 = arith.index_cast %get3A_321 : i32 to index
        %get3A_323 = arith.index_cast %add3A_308 : i32 to index
        %get3A_324 = arith.constant 32 : index
        %get3A_325 = tpu.vector_load %arg5[%get3A_322, %get3A_323, %get3A_324] {strides = array<i32>} : memref<2x64x200xi32, #tpu.memory_space<vmem>>, vector<16xi32>,
        %gather3A_326 = tpu.vector_load_idx %arg6[%get3A_325] : memref<5056xf32, #tpu.memory_space<vmem>>[vector<16xi32>], vector<16xf32>,
        %get3A_327 = arith.constant 0 : i32
        %get3A_328 = arith.index_cast %get3A_327 : i32 to index
        %get3A_329 = arith.index_cast %add3A_308 : i32 to index
        %get3A_330 = arith.constant 48 : index
        %get3A_331 = tpu.vector_load %arg5[%get3A_328, %get3A_329, %get3A_330] {strides = array<i32>} : memref<2x64x200xi32, #tpu.memory_space<vmem>>, vector<16xi32>,
        %gather3A_332 = tpu.vector_load_idx %arg6[%get3A_331] : memref<5056xf32, #tpu.memory_space<vmem>>[vector<16xi32>], vector<16xf32>,
        %get3A_333 = arith.constant 0 : i32
        %get3A_334 = arith.index_cast %get3A_333 : i32 to index
        %get3A_335 = arith.index_cast %add3A_308 : i32 to index
        %get3A_336 = arith.constant 64 : index
        %get3A_337 = tpu.vector_load %arg5[%get3A_334, %get3A_335, %get3A_336] {strides = array<i32>} : memref<2x64x200xi32, #tpu.memory_space<vmem>>, vector<16xi32>,
        %gather3A_338 = tpu.vector_load_idx %arg6[%get3A_337] : memref<5056xf32, #tpu.memory_space<vmem>>[vector<16xi32>], vector<16xf32>,
        %get3A_339 = arith.constant 0 : i32
        %get3A_340 = arith.index_cast %get3A_339 : i32 to index
        %get3A_341 = arith.index_cast %add3A_308 : i32 to index
        %get3A_342 = arith.constant 80 : index
        %get3A_343 = tpu.vector_load %arg5[%get3A_340, %get3A_341, %get3A_342] {strides = array<i32>} : memref<2x64x200xi32, #tpu.memory_space<vmem>>, vector<16xi32>,
        %gather3A_344 = tpu.vector_load_idx %arg6[%get3A_343] : memref<5056xf32, #tpu.memory_space<vmem>>[vector<16xi32>], vector<16xf32>,
        %get3A_345 = arith.constant 0 : i32
        %get3A_346 = arith.index_cast %get3A_345 : i32 to index
        %get3A_347 = arith.index_cast %add3A_308 : i32 to index
        %get3A_348 = arith.constant 96 : index
        %get3A_349 = tpu.vector_load %arg5[%get3A_346, %get3A_347, %get3A_348] {strides = array<i32>} : memref<2x64x200xi32, #tpu.memory_space<vmem>>, vector<16xi32>,
        %gather3A_350 = tpu.vector_load_idx %arg6[%get3A_349] : memref<5056xf32, #tpu.memory_space<vmem>>[vector<16xi32>], vector<16xf32>,
        %get3A_351 = arith.constant 0 : i32
        %get3A_352 = arith.index_cast %get3A_351 : i32 to index
        %get3A_353 = arith.index_cast %add3A_308 : i32 to index
        %get3A_354 = arith.constant 112 : index
        %get3A_355 = tpu.vector_load %arg5[%get3A_352, %get3A_353, %get3A_354] {strides = array<i32>} : memref<2x64x200xi32, #tpu.memory_space<vmem>>, vector<16xi32>,
        %gather3A_356 = tpu.vector_load_idx %arg6[%get3A_355] : memref<5056xf32, #tpu.memory_space<vmem>>[vector<16xi32>], vector<16xf32>,
        %get3A_357 = arith.constant 0 : i32
        %get3A_358 = arith.index_cast %get3A_357 : i32 to index
        %get3A_359 = arith.index_cast %add3A_308 : i32 to index
        %get3A_360 = arith.constant 128 : index
        %get3A_361 = tpu.vector_load %arg5[%get3A_358, %get3A_359, %get3A_360] {strides = array<i32>} : memref<2x64x200xi32, #tpu.memory_space<vmem>>, vector<16xi32>,
        %gather3A_362 = tpu.vector_load_idx %arg6[%get3A_361] : memref<5056xf32, #tpu.memory_space<vmem>>[vector<16xi32>], vector<16xf32>,
        %get3A_363 = arith.constant 0 : i32
        %get3A_364 = arith.index_cast %get3A_363 : i32 to index
        %get3A_365 = arith.index_cast %add3A_308 : i32 to index
        %get3A_366 = arith.constant 144 : index
        %get3A_367 = tpu.vector_load %arg5[%get3A_364, %get3A_365, %get3A_366] {strides = array<i32>} : memref<2x64x200xi32, #tpu.memory_space<vmem>>, vector<16xi32>,
        %gather3A_368 = tpu.vector_load_idx %arg6[%get3A_367] : memref<5056xf32, #tpu.memory_space<vmem>>[vector<16xi32>], vector<16xf32>,
        %get3A_369 = arith.constant 0 : i32
        %get3A_370 = arith.index_cast %get3A_369 : i32 to index
        %get3A_371 = arith.index_cast %add3A_308 : i32 to index
        %get3A_372 = arith.constant 160 : index
        %get3A_373 = tpu.vector_load %arg5[%get3A_370, %get3A_371, %get3A_372] {strides = array<i32>} : memref<2x64x200xi32, #tpu.memory_space<vmem>>, vector<16xi32>,
        %gather3A_374 = tpu.vector_load_idx %arg6[%get3A_373] : memref<5056xf32, #tpu.memory_space<vmem>>[vector<16xi32>], vector<16xf32>,
        %get3A_375 = arith.constant 0 : i32
        %get3A_376 = arith.index_cast %get3A_375 : i32 to index
        %get3A_377 = arith.index_cast %add3A_308 : i32 to index
        %get3A_378 = arith.constant 176 : index
        %get3A_379 = tpu.vector_load %arg5[%get3A_376, %get3A_377, %get3A_378] {strides = array<i32>} : memref<2x64x200xi32, #tpu.memory_space<vmem>>, vector<16xi32>,
        %gather3A_380 = tpu.vector_load_idx %arg6[%get3A_379] : memref<5056xf32, #tpu.memory_space<vmem>>[vector<16xi32>], vector<16xf32>,
        %get3A_381 = arith.constant 0 : i32
        %get3A_382 = arith.index_cast %get3A_381 : i32 to index
        %get3A_383 = arith.index_cast %add3A_308 : i32 to index
        %get3A_384 = arith.constant 184 : index
        %get3A_385 = tpu.vector_load %arg5[%get3A_382, %get3A_383, %get3A_384] {strides = array<i32>} : memref<2x64x200xi32, #tpu.memory_space<vmem>>, vector<16xi32>,
        %gather3A_386 = tpu.vector_load_idx %arg6[%get3A_385] : memref<5056xf32, #tpu.memory_space<vmem>>[vector<16xi32>], vector<16xf32>,
        %mul3A_387 = arith.mulf %gather3A_386, %select_n3A : vector<16xf32>
        %add3A_388 = arith.addf %gather3A_314, %gather3A_320 : vector<16xf32>
        %add3A_389 = arith.addf %gather3A_326, %gather3A_332 : vector<16xf32>
        %add3A_390 = arith.addf %gather3A_338, %gather3A_344 : vector<16xf32>
        %add3A_391 = arith.addf %gather3A_350, %gather3A_356 : vector<16xf32>
        %add3A_392 = arith.addf %gather3A_362, %gather3A_368 : vector<16xf32>
        %add3A_393 = arith.addf %gather3A_374, %gather3A_380 : vector<16xf32>
        %add3A_394 = arith.addf %add3A_388, %add3A_389 : vector<16xf32>
        %add3A_395 = arith.addf %add3A_390, %add3A_391 : vector<16xf32>
        %add3A_396 = arith.addf %add3A_392, %add3A_393 : vector<16xf32>
        %add3A_397 = arith.addf %add3A_394, %add3A_395 : vector<16xf32>
        %add3A_398 = arith.addf %add3A_396, %mul3A_387 : vector<16xf32>
        %add3A_399 = arith.addf %add3A_397, %add3A_398 : vector<16xf32>
        %broadcast_in_dim3A_400 = arith.constant true
        %broadcast_in_dim3A_401 = vector.broadcast %broadcast_in_dim3A_400 : i1 to vector<16xi1>
        %masked_cumsum3A_402 = tpu.scan <sum>, %add3A_399 masked %broadcast_in_dim3A_401 : vector<16xf32>, vector<16xi1> -> vector<16xf32>
        %mul3A_403 = arith.constant 64 : i32
        %mul3A_404 = arith.muli %add3A_50, %mul3A_403 : i32
        %add3A_405 = arith.addi %mul3A_404, %add3A_308 : i32
        %broadcast_in_dim3A_406 = vector.broadcast %add3A_405 : i32 to vector<16xi32>
        tpu.vector_store_idx %arg7[%broadcast_in_dim3A_406], %masked_cumsum3A_402 masked %eq3A_35 : memref<512xf32, #tpu.memory_space<vmem>>[vector<16xi32>], vector<16xf32>, vector<16xi1>
        %add3A_407 = arith.constant 3 : i32
        %add3A_408 = arith.addi %add3A_109, %add3A_407 : i32
        %get3A_409 = arith.constant 0 : i32
        %get3A_410 = arith.index_cast %get3A_409 : i32 to index
        %get3A_411 = arith.index_cast %add3A_408 : i32 to index
        %get3A_412 = arith.constant 0 : index
        %get3A_413 = tpu.vector_load %arg5[%get3A_410, %get3A_411, %get3A_412] {strides = array<i32>} : memref<2x64x200xi32, #tpu.memory_space<vmem>>, vector<16xi32>,
        %gather3A_414 = tpu.vector_load_idx %arg6[%get3A_413] : memref<5056xf32, #tpu.memory_space<vmem>>[vector<16xi32>], vector<16xf32>,
        %get3A_415 = arith.constant 0 : i32
        %get3A_416 = arith.index_cast %get3A_415 : i32 to index
        %get3A_417 = arith.index_cast %add3A_408 : i32 to index
        %get3A_418 = arith.constant 16 : index
        %get3A_419 = tpu.vector_load %arg5[%get3A_416, %get3A_417, %get3A_418] {strides = array<i32>} : memref<2x64x200xi32, #tpu.memory_space<vmem>>, vector<16xi32>,
        %gather3A_420 = tpu.vector_load_idx %arg6[%get3A_419] : memref<5056xf32, #tpu.memory_space<vmem>>[vector<16xi32>], vector<16xf32>,
        %get3A_421 = arith.constant 0 : i32
        %get3A_422 = arith.index_cast %get3A_421 : i32 to index
        %get3A_423 = arith.index_cast %add3A_408 : i32 to index
        %get3A_424 = arith.constant 32 : index
        %get3A_425 = tpu.vector_load %arg5[%get3A_422, %get3A_423, %get3A_424] {strides = array<i32>} : memref<2x64x200xi32, #tpu.memory_space<vmem>>, vector<16xi32>,
        %gather3A_426 = tpu.vector_load_idx %arg6[%get3A_425] : memref<5056xf32, #tpu.memory_space<vmem>>[vector<16xi32>], vector<16xf32>,
        %get3A_427 = arith.constant 0 : i32
        %get3A_428 = arith.index_cast %get3A_427 : i32 to index
        %get3A_429 = arith.index_cast %add3A_408 : i32 to index
        %get3A_430 = arith.constant 48 : index
        %get3A_431 = tpu.vector_load %arg5[%get3A_428, %get3A_429, %get3A_430] {strides = array<i32>} : memref<2x64x200xi32, #tpu.memory_space<vmem>>, vector<16xi32>,
        %gather3A_432 = tpu.vector_load_idx %arg6[%get3A_431] : memref<5056xf32, #tpu.memory_space<vmem>>[vector<16xi32>], vector<16xf32>,
        %get3A_433 = arith.constant 0 : i32
        %get3A_434 = arith.index_cast %get3A_433 : i32 to index
        %get3A_435 = arith.index_cast %add3A_408 : i32 to index
        %get3A_436 = arith.constant 64 : index
        %get3A_437 = tpu.vector_load %arg5[%get3A_434, %get3A_435, %get3A_436] {strides = array<i32>} : memref<2x64x200xi32, #tpu.memory_space<vmem>>, vector<16xi32>,
        %gather3A_438 = tpu.vector_load_idx %arg6[%get3A_437] : memref<5056xf32, #tpu.memory_space<vmem>>[vector<16xi32>], vector<16xf32>,
        %get3A_439 = arith.constant 0 : i32
        %get3A_440 = arith.index_cast %get3A_439 : i32 to index
        %get3A_441 = arith.index_cast %add3A_408 : i32 to index
        %get3A_442 = arith.constant 80 : index
        %get3A_443 = tpu.vector_load %arg5[%get3A_440, %get3A_441, %get3A_442] {strides = array<i32>} : memref<2x64x200xi32, #tpu.memory_space<vmem>>, vector<16xi32>,
        %gather3A_444 = tpu.vector_load_idx %arg6[%get3A_443] : memref<5056xf32, #tpu.memory_space<vmem>>[vector<16xi32>], vector<16xf32>,
        %get3A_445 = arith.constant 0 : i32
        %get3A_446 = arith.index_cast %get3A_445 : i32 to index
        %get3A_447 = arith.index_cast %add3A_408 : i32 to index
        %get3A_448 = arith.constant 96 : index
        %get3A_449 = tpu.vector_load %arg5[%get3A_446, %get3A_447, %get3A_448] {strides = array<i32>} : memref<2x64x200xi32, #tpu.memory_space<vmem>>, vector<16xi32>,
        %gather3A_450 = tpu.vector_load_idx %arg6[%get3A_449] : memref<5056xf32, #tpu.memory_space<vmem>>[vector<16xi32>], vector<16xf32>,
        %get3A_451 = arith.constant 0 : i32
        %get3A_452 = arith.index_cast %get3A_451 : i32 to index
        %get3A_453 = arith.index_cast %add3A_408 : i32 to index
        %get3A_454 = arith.constant 112 : index
        %get3A_455 = tpu.vector_load %arg5[%get3A_452, %get3A_453, %get3A_454] {strides = array<i32>} : memref<2x64x200xi32, #tpu.memory_space<vmem>>, vector<16xi32>,
        %gather3A_456 = tpu.vector_load_idx %arg6[%get3A_455] : memref<5056xf32, #tpu.memory_space<vmem>>[vector<16xi32>], vector<16xf32>,
        %get3A_457 = arith.constant 0 : i32
        %get3A_458 = arith.index_cast %get3A_457 : i32 to index
        %get3A_459 = arith.index_cast %add3A_408 : i32 to index
        %get3A_460 = arith.constant 128 : index
        %get3A_461 = tpu.vector_load %arg5[%get3A_458, %get3A_459, %get3A_460] {strides = array<i32>} : memref<2x64x200xi32, #tpu.memory_space<vmem>>, vector<16xi32>,
        %gather3A_462 = tpu.vector_load_idx %arg6[%get3A_461] : memref<5056xf32, #tpu.memory_space<vmem>>[vector<16xi32>], vector<16xf32>,
        %get3A_463 = arith.constant 0 : i32
        %get3A_464 = arith.index_cast %get3A_463 : i32 to index
        %get3A_465 = arith.index_cast %add3A_408 : i32 to index
        %get3A_466 = arith.constant 144 : index
        %get3A_467 = tpu.vector_load %arg5[%get3A_464, %get3A_465, %get3A_466] {strides = array<i32>} : memref<2x64x200xi32, #tpu.memory_space<vmem>>, vector<16xi32>,
        %gather3A_468 = tpu.vector_load_idx %arg6[%get3A_467] : memref<5056xf32, #tpu.memory_space<vmem>>[vector<16xi32>], vector<16xf32>,
        %get3A_469 = arith.constant 0 : i32
        %get3A_470 = arith.index_cast %get3A_469 : i32 to index
        %get3A_471 = arith.index_cast %add3A_408 : i32 to index
        %get3A_472 = arith.constant 160 : index
        %get3A_473 = tpu.vector_load %arg5[%get3A_470, %get3A_471, %get3A_472] {strides = array<i32>} : memref<2x64x200xi32, #tpu.memory_space<vmem>>, vector<16xi32>,
        %gather3A_474 = tpu.vector_load_idx %arg6[%get3A_473] : memref<5056xf32, #tpu.memory_space<vmem>>[vector<16xi32>], vector<16xf32>,
        %get3A_475 = arith.constant 0 : i32
        %get3A_476 = arith.index_cast %get3A_475 : i32 to index
        %get3A_477 = arith.index_cast %add3A_408 : i32 to index
        %get3A_478 = arith.constant 176 : index
        %get3A_479 = tpu.vector_load %arg5[%get3A_476, %get3A_477, %get3A_478] {strides = array<i32>} : memref<2x64x200xi32, #tpu.memory_space<vmem>>, vector<16xi32>,
        %gather3A_480 = tpu.vector_load_idx %arg6[%get3A_479] : memref<5056xf32, #tpu.memory_space<vmem>>[vector<16xi32>], vector<16xf32>,
        %get3A_481 = arith.constant 0 : i32
        %get3A_482 = arith.index_cast %get3A_481 : i32 to index
        %get3A_483 = arith.index_cast %add3A_408 : i32 to index
        %get3A_484 = arith.constant 184 : index
        %get3A_485 = tpu.vector_load %arg5[%get3A_482, %get3A_483, %get3A_484] {strides = array<i32>} : memref<2x64x200xi32, #tpu.memory_space<vmem>>, vector<16xi32>,
        %gather3A_486 = tpu.vector_load_idx %arg6[%get3A_485] : memref<5056xf32, #tpu.memory_space<vmem>>[vector<16xi32>], vector<16xf32>,
        %mul3A_487 = arith.mulf %gather3A_486, %select_n3A : vector<16xf32>
        %add3A_488 = arith.addf %gather3A_414, %gather3A_420 : vector<16xf32>
        %add3A_489 = arith.addf %gather3A_426, %gather3A_432 : vector<16xf32>
        %add3A_490 = arith.addf %gather3A_438, %gather3A_444 : vector<16xf32>
        %add3A_491 = arith.addf %gather3A_450, %gather3A_456 : vector<16xf32>
        %add3A_492 = arith.addf %gather3A_462, %gather3A_468 : vector<16xf32>
        %add3A_493 = arith.addf %gather3A_474, %gather3A_480 : vector<16xf32>
        %add3A_494 = arith.addf %add3A_488, %add3A_489 : vector<16xf32>
        %add3A_495 = arith.addf %add3A_490, %add3A_491 : vector<16xf32>
        %add3A_496 = arith.addf %add3A_492, %add3A_493 : vector<16xf32>
        %add3A_497 = arith.addf %add3A_494, %add3A_495 : vector<16xf32>
        %add3A_498 = arith.addf %add3A_496, %mul3A_487 : vector<16xf32>
        %add3A_499 = arith.addf %add3A_497, %add3A_498 : vector<16xf32>
        %broadcast_in_dim3A_500 = arith.constant true
        %broadcast_in_dim3A_501 = vector.broadcast %broadcast_in_dim3A_500 : i1 to vector<16xi1>
        %masked_cumsum3A_502 = tpu.scan <sum>, %add3A_499 masked %broadcast_in_dim3A_501 : vector<16xf32>, vector<16xi1> -> vector<16xf32>
        %mul3A_503 = arith.constant 64 : i32
        %mul3A_504 = arith.muli %add3A_50, %mul3A_503 : i32
        %add3A_505 = arith.addi %mul3A_504, %add3A_408 : i32
        %broadcast_in_dim3A_506 = vector.broadcast %add3A_505 : i32 to vector<16xi32>
        tpu.vector_store_idx %arg7[%broadcast_in_dim3A_506], %masked_cumsum3A_502 masked %eq3A_35 : memref<512xf32, #tpu.memory_space<vmem>>[vector<16xi32>], vector<16xf32>, vector<16xi1>
      }
      %scan3A_70 = arith.constant 16 : i32
      %add3A_71 = arith.constant 2 : i32
      %add3A_72 = arith.addi %add3A_50, %add3A_71 : i32
      %lt3A = arith.constant 8 : i32
      %lt3A_73 = arith.cmpi slt, %add3A_72, %lt3A : i32
      %convert_element_type3A = arith.extui %lt3A_73 : i1 to i32
      %cond3A = arith.constant 0 : i32
      %cond3A_74 = arith.cmpi ne, %convert_element_type3A, %cond3A : i32
      scf.if %cond3A_74 {
        %add3A_105 = arith.constant 2 : i32
        %add3A_106 = arith.addi %add3A_50, %add3A_105 : i32
        %mul3A_107 = arith.constant 64 : i32
        %mul3A_108 = arith.muli %add3A_106, %mul3A_107 : i32
        %add3A_109 = arith.addi %mul3A_2, %mul3A_108 : i32
        %dma_start3A_110 = arith.constant 0 : i32
        %dma_start3A_111 = arith.constant 0 : i32
        %dma_start3A_112 = arith.constant 0 : i32
        %dma_start3A_113 = tpu.memref_slice %arg5[%dma_start3A_110, %dma_start3A_111, %dma_start3A_112] : memref<2x64x200xi32, #tpu.memory_space<vmem>> -> memref<1x64x200xi32, #tpu.memory_space<vmem>>
        %dma_start3A_114 = tpu.memref_squeeze %dma_start3A_113 : memref<1x64x200xi32, #tpu.memory_space<vmem>> -> memref<64x200xi32, #tpu.memory_space<vmem>>
        %dma_start3A_115 = arith.constant 0 : i32
        %dma_start3A_116 = tpu.memref_slice %arg2[%add3A_109, %dma_start3A_115] : memref<16384x200xi32, #tpu.memory_space<hbm>> -> memref<64x200xi32, #tpu.memory_space<hbm>>
        %dma_start3A_117 = arith.constant 0 : i32
        %dma_start3A_118 = arith.constant 0 : i32
        %dma_start3A_119 = tpu.memref_slice %arg5[%dma_start3A_110, %dma_start3A_117, %dma_start3A_118] : memref<2x64x200xi32, #tpu.memory_space<vmem>> -> memref<1x64x200xi32, #tpu.memory_space<vmem>>
        %dma_start3A_120 = tpu.memref_squeeze %dma_start3A_119 : memref<1x64x200xi32, #tpu.memory_space<vmem>> -> memref<64x200xi32, #tpu.memory_space<vmem>>
        %dma_start3A_121 = arith.constant 0 : i32
        %dma_start3A_122 = tpu.memref_slice %arg2[%add3A_109, %dma_start3A_121] : memref<16384x200xi32, #tpu.memory_space<hbm>> -> memref<64x200xi32, #tpu.memory_space<hbm>>
        tpu.enqueue_dma source(%dma_start3A_122 : memref<64x200xi32, #tpu.memory_space<hbm>>) target(%dma_start3A_120 : memref<64x200xi32, #tpu.memory_space<vmem>>) target_semaphore(%arg9 : memref<!tpu.dma_semaphore, #tpu.memory_space<semaphore_mem>>)
      } else {
      }
      %add3A_75 = arith.constant 1 : i32
      %add3A_76 = arith.addi %add3A_48, %add3A_75 : i32
      %mul3A_77 = arith.constant 64 : i32
      %mul3A_78 = arith.muli %add3A_76, %mul3A_77 : i32
      %add3A_79 = arith.addi %mul3A_2, %mul3A_78 : i32
      %dma_wait3A_80 = arith.constant 1 : i32
      %dma_wait3A_81 = arith.constant 0 : i32
      %dma_wait3A_82 = arith.constant 0 : i32
      %dma_wait3A_83 = tpu.memref_slice %arg5[%dma_wait3A_80, %dma_wait3A_81, %dma_wait3A_82] : memref<2x64x200xi32, #tpu.memory_space<vmem>> -> memref<1x64x200xi32, #tpu.memory_space<vmem>>
      %dma_wait3A_84 = tpu.memref_squeeze %dma_wait3A_83 : memref<1x64x200xi32, #tpu.memory_space<vmem>> -> memref<64x200xi32, #tpu.memory_space<vmem>>
      %dma_wait3A_85 = arith.constant 0 : i32
      %dma_wait3A_86 = tpu.memref_slice %arg2[%add3A_79, %dma_wait3A_85] : memref<16384x200xi32, #tpu.memory_space<hbm>> -> memref<64x200xi32, #tpu.memory_space<hbm>>
      %dma_wait3A_87 = arith.constant 0 : i32
      %dma_wait3A_88 = arith.constant 0 : i32
      %dma_wait3A_89 = tpu.memref_slice %arg5[%dma_wait3A_80, %dma_wait3A_87, %dma_wait3A_88] : memref<2x64x200xi32, #tpu.memory_space<vmem>> -> memref<1x64x200xi32, #tpu.memory_space<vmem>>
      %dma_wait3A_90 = tpu.memref_squeeze %dma_wait3A_89 : memref<1x64x200xi32, #tpu.memory_space<vmem>> -> memref<64x200xi32, #tpu.memory_space<vmem>>
      %dma_wait3A_91 = arith.constant 0 : i32
      %dma_wait3A_92 = tpu.memref_slice %arg2[%add3A_79, %dma_wait3A_91] : memref<16384x200xi32, #tpu.memory_space<hbm>> -> memref<64x200xi32, #tpu.memory_space<hbm>>
      tpu.wait_dma2 semaphore(%arg10 : memref<!tpu.dma_semaphore, #tpu.memory_space<semaphore_mem>>) src(%dma_wait3A_92 : memref<64x200xi32, #tpu.memory_space<hbm>>) dst(%dma_wait3A_90 : memref<64x200xi32, #tpu.memory_space<vmem>>)
      %scan3A_93 = arith.constant 0 : i32
      %scan3A_94 = arith.constant 16 : i32
      %scan3A_95 = arith.addi %scan3A_93, %scan3A_94 : i32
      %scan3A_96 = arith.constant 1 : i32
      scf.for %scan3A_105 = %scan3A_93 to %scan3A_95 step %scan3A_96  : i32 {
        %mul3A_106 = arith.constant 4 : i32
        %mul3A_107 = arith.muli %scan3A_105, %mul3A_106 : i32
        %add3A_108 = arith.constant 0 : i32
        %add3A_109 = arith.addi %add3A_108, %mul3A_107 : i32
        %add3A_110 = arith.constant 0 : i32
        %add3A_111 = arith.addi %add3A_109, %add3A_110 : i32
        %get3A = arith.constant 1 : i32
        %get3A_112 = arith.index_cast %get3A : i32 to index
        %get3A_113 = arith.index_cast %add3A_111 : i32 to index
        %get3A_114 = arith.constant 0 : index
        %get3A_115 = tpu.vector_load %arg5[%get3A_112, %get3A_113, %get3A_114] {strides = array<i32>} : memref<2x64x200xi32, #tpu.memory_space<vmem>>, vector<16xi32>,
        %gather3A = tpu.vector_load_idx %arg6[%get3A_115] : memref<5056xf32, #tpu.memory_space<vmem>>[vector<16xi32>], vector<16xf32>,
        %get3A_116 = arith.constant 1 : i32
        %get3A_117 = arith.index_cast %get3A_116 : i32 to index
        %get3A_118 = arith.index_cast %add3A_111 : i32 to index
        %get3A_119 = arith.constant 16 : index
        %get3A_120 = tpu.vector_load %arg5[%get3A_117, %get3A_118, %get3A_119] {strides = array<i32>} : memref<2x64x200xi32, #tpu.memory_space<vmem>>, vector<16xi32>,
        %gather3A_121 = tpu.vector_load_idx %arg6[%get3A_120] : memref<5056xf32, #tpu.memory_space<vmem>>[vector<16xi32>], vector<16xf32>,
        %get3A_122 = arith.constant 1 : i32
        %get3A_123 = arith.index_cast %get3A_122 : i32 to index
        %get3A_124 = arith.index_cast %add3A_111 : i32 to index
        %get3A_125 = arith.constant 32 : index
        %get3A_126 = tpu.vector_load %arg5[%get3A_123, %get3A_124, %get3A_125] {strides = array<i32>} : memref<2x64x200xi32, #tpu.memory_space<vmem>>, vector<16xi32>,
        %gather3A_127 = tpu.vector_load_idx %arg6[%get3A_126] : memref<5056xf32, #tpu.memory_space<vmem>>[vector<16xi32>], vector<16xf32>,
        %get3A_128 = arith.constant 1 : i32
        %get3A_129 = arith.index_cast %get3A_128 : i32 to index
        %get3A_130 = arith.index_cast %add3A_111 : i32 to index
        %get3A_131 = arith.constant 48 : index
        %get3A_132 = tpu.vector_load %arg5[%get3A_129, %get3A_130, %get3A_131] {strides = array<i32>} : memref<2x64x200xi32, #tpu.memory_space<vmem>>, vector<16xi32>,
        %gather3A_133 = tpu.vector_load_idx %arg6[%get3A_132] : memref<5056xf32, #tpu.memory_space<vmem>>[vector<16xi32>], vector<16xf32>,
        %get3A_134 = arith.constant 1 : i32
        %get3A_135 = arith.index_cast %get3A_134 : i32 to index
        %get3A_136 = arith.index_cast %add3A_111 : i32 to index
        %get3A_137 = arith.constant 64 : index
        %get3A_138 = tpu.vector_load %arg5[%get3A_135, %get3A_136, %get3A_137] {strides = array<i32>} : memref<2x64x200xi32, #tpu.memory_space<vmem>>, vector<16xi32>,
        %gather3A_139 = tpu.vector_load_idx %arg6[%get3A_138] : memref<5056xf32, #tpu.memory_space<vmem>>[vector<16xi32>], vector<16xf32>,
        %get3A_140 = arith.constant 1 : i32
        %get3A_141 = arith.index_cast %get3A_140 : i32 to index
        %get3A_142 = arith.index_cast %add3A_111 : i32 to index
        %get3A_143 = arith.constant 80 : index
        %get3A_144 = tpu.vector_load %arg5[%get3A_141, %get3A_142, %get3A_143] {strides = array<i32>} : memref<2x64x200xi32, #tpu.memory_space<vmem>>, vector<16xi32>,
        %gather3A_145 = tpu.vector_load_idx %arg6[%get3A_144] : memref<5056xf32, #tpu.memory_space<vmem>>[vector<16xi32>], vector<16xf32>,
        %get3A_146 = arith.constant 1 : i32
        %get3A_147 = arith.index_cast %get3A_146 : i32 to index
        %get3A_148 = arith.index_cast %add3A_111 : i32 to index
        %get3A_149 = arith.constant 96 : index
        %get3A_150 = tpu.vector_load %arg5[%get3A_147, %get3A_148, %get3A_149] {strides = array<i32>} : memref<2x64x200xi32, #tpu.memory_space<vmem>>, vector<16xi32>,
        %gather3A_151 = tpu.vector_load_idx %arg6[%get3A_150] : memref<5056xf32, #tpu.memory_space<vmem>>[vector<16xi32>], vector<16xf32>,
        %get3A_152 = arith.constant 1 : i32
        %get3A_153 = arith.index_cast %get3A_152 : i32 to index
        %get3A_154 = arith.index_cast %add3A_111 : i32 to index
        %get3A_155 = arith.constant 112 : index
        %get3A_156 = tpu.vector_load %arg5[%get3A_153, %get3A_154, %get3A_155] {strides = array<i32>} : memref<2x64x200xi32, #tpu.memory_space<vmem>>, vector<16xi32>,
        %gather3A_157 = tpu.vector_load_idx %arg6[%get3A_156] : memref<5056xf32, #tpu.memory_space<vmem>>[vector<16xi32>], vector<16xf32>,
        %get3A_158 = arith.constant 1 : i32
        %get3A_159 = arith.index_cast %get3A_158 : i32 to index
        %get3A_160 = arith.index_cast %add3A_111 : i32 to index
        %get3A_161 = arith.constant 128 : index
        %get3A_162 = tpu.vector_load %arg5[%get3A_159, %get3A_160, %get3A_161] {strides = array<i32>} : memref<2x64x200xi32, #tpu.memory_space<vmem>>, vector<16xi32>,
        %gather3A_163 = tpu.vector_load_idx %arg6[%get3A_162] : memref<5056xf32, #tpu.memory_space<vmem>>[vector<16xi32>], vector<16xf32>,
        %get3A_164 = arith.constant 1 : i32
        %get3A_165 = arith.index_cast %get3A_164 : i32 to index
        %get3A_166 = arith.index_cast %add3A_111 : i32 to index
        %get3A_167 = arith.constant 144 : index
        %get3A_168 = tpu.vector_load %arg5[%get3A_165, %get3A_166, %get3A_167] {strides = array<i32>} : memref<2x64x200xi32, #tpu.memory_space<vmem>>, vector<16xi32>,
        %gather3A_169 = tpu.vector_load_idx %arg6[%get3A_168] : memref<5056xf32, #tpu.memory_space<vmem>>[vector<16xi32>], vector<16xf32>,
        %get3A_170 = arith.constant 1 : i32
        %get3A_171 = arith.index_cast %get3A_170 : i32 to index
        %get3A_172 = arith.index_cast %add3A_111 : i32 to index
        %get3A_173 = arith.constant 160 : index
        %get3A_174 = tpu.vector_load %arg5[%get3A_171, %get3A_172, %get3A_173] {strides = array<i32>} : memref<2x64x200xi32, #tpu.memory_space<vmem>>, vector<16xi32>,
        %gather3A_175 = tpu.vector_load_idx %arg6[%get3A_174] : memref<5056xf32, #tpu.memory_space<vmem>>[vector<16xi32>], vector<16xf32>,
        %get3A_176 = arith.constant 1 : i32
        %get3A_177 = arith.index_cast %get3A_176 : i32 to index
        %get3A_178 = arith.index_cast %add3A_111 : i32 to index
        %get3A_179 = arith.constant 176 : index
        %get3A_180 = tpu.vector_load %arg5[%get3A_177, %get3A_178, %get3A_179] {strides = array<i32>} : memref<2x64x200xi32, #tpu.memory_space<vmem>>, vector<16xi32>,
        %gather3A_181 = tpu.vector_load_idx %arg6[%get3A_180] : memref<5056xf32, #tpu.memory_space<vmem>>[vector<16xi32>], vector<16xf32>,
        %get3A_182 = arith.constant 1 : i32
        %get3A_183 = arith.index_cast %get3A_182 : i32 to index
        %get3A_184 = arith.index_cast %add3A_111 : i32 to index
        %get3A_185 = arith.constant 184 : index
        %get3A_186 = tpu.vector_load %arg5[%get3A_183, %get3A_184, %get3A_185] {strides = array<i32>} : memref<2x64x200xi32, #tpu.memory_space<vmem>>, vector<16xi32>,
        %gather3A_187 = tpu.vector_load_idx %arg6[%get3A_186] : memref<5056xf32, #tpu.memory_space<vmem>>[vector<16xi32>], vector<16xf32>,
        %mul3A_188 = arith.mulf %gather3A_187, %select_n3A : vector<16xf32>
        %add3A_189 = arith.addf %gather3A, %gather3A_121 : vector<16xf32>
        %add3A_190 = arith.addf %gather3A_127, %gather3A_133 : vector<16xf32>
        %add3A_191 = arith.addf %gather3A_139, %gather3A_145 : vector<16xf32>
        %add3A_192 = arith.addf %gather3A_151, %gather3A_157 : vector<16xf32>
        %add3A_193 = arith.addf %gather3A_163, %gather3A_169 : vector<16xf32>
        %add3A_194 = arith.addf %gather3A_175, %gather3A_181 : vector<16xf32>
        %add3A_195 = arith.addf %add3A_189, %add3A_190 : vector<16xf32>
        %add3A_196 = arith.addf %add3A_191, %add3A_192 : vector<16xf32>
        %add3A_197 = arith.addf %add3A_193, %add3A_194 : vector<16xf32>
        %add3A_198 = arith.addf %add3A_195, %add3A_196 : vector<16xf32>
        %add3A_199 = arith.addf %add3A_197, %mul3A_188 : vector<16xf32>
        %add3A_200 = arith.addf %add3A_198, %add3A_199 : vector<16xf32>
        %broadcast_in_dim3A_201 = arith.constant true
        %broadcast_in_dim3A_202 = vector.broadcast %broadcast_in_dim3A_201 : i1 to vector<16xi1>
        %masked_cumsum3A = tpu.scan <sum>, %add3A_200 masked %broadcast_in_dim3A_202 : vector<16xf32>, vector<16xi1> -> vector<16xf32>
        %mul3A_203 = arith.constant 64 : i32
        %mul3A_204 = arith.muli %add3A_76, %mul3A_203 : i32
        %add3A_205 = arith.addi %mul3A_204, %add3A_111 : i32
        %broadcast_in_dim3A_206 = vector.broadcast %add3A_205 : i32 to vector<16xi32>
        tpu.vector_store_idx %arg7[%broadcast_in_dim3A_206], %masked_cumsum3A masked %eq3A_35 : memref<512xf32, #tpu.memory_space<vmem>>[vector<16xi32>], vector<16xf32>, vector<16xi1>
        %add3A_207 = arith.constant 1 : i32
        %add3A_208 = arith.addi %add3A_109, %add3A_207 : i32
        %get3A_209 = arith.constant 1 : i32
        %get3A_210 = arith.index_cast %get3A_209 : i32 to index
        %get3A_211 = arith.index_cast %add3A_208 : i32 to index
        %get3A_212 = arith.constant 0 : index
        %get3A_213 = tpu.vector_load %arg5[%get3A_210, %get3A_211, %get3A_212] {strides = array<i32>} : memref<2x64x200xi32, #tpu.memory_space<vmem>>, vector<16xi32>,
        %gather3A_214 = tpu.vector_load_idx %arg6[%get3A_213] : memref<5056xf32, #tpu.memory_space<vmem>>[vector<16xi32>], vector<16xf32>,
        %get3A_215 = arith.constant 1 : i32
        %get3A_216 = arith.index_cast %get3A_215 : i32 to index
        %get3A_217 = arith.index_cast %add3A_208 : i32 to index
        %get3A_218 = arith.constant 16 : index
        %get3A_219 = tpu.vector_load %arg5[%get3A_216, %get3A_217, %get3A_218] {strides = array<i32>} : memref<2x64x200xi32, #tpu.memory_space<vmem>>, vector<16xi32>,
        %gather3A_220 = tpu.vector_load_idx %arg6[%get3A_219] : memref<5056xf32, #tpu.memory_space<vmem>>[vector<16xi32>], vector<16xf32>,
        %get3A_221 = arith.constant 1 : i32
        %get3A_222 = arith.index_cast %get3A_221 : i32 to index
        %get3A_223 = arith.index_cast %add3A_208 : i32 to index
        %get3A_224 = arith.constant 32 : index
        %get3A_225 = tpu.vector_load %arg5[%get3A_222, %get3A_223, %get3A_224] {strides = array<i32>} : memref<2x64x200xi32, #tpu.memory_space<vmem>>, vector<16xi32>,
        %gather3A_226 = tpu.vector_load_idx %arg6[%get3A_225] : memref<5056xf32, #tpu.memory_space<vmem>>[vector<16xi32>], vector<16xf32>,
        %get3A_227 = arith.constant 1 : i32
        %get3A_228 = arith.index_cast %get3A_227 : i32 to index
        %get3A_229 = arith.index_cast %add3A_208 : i32 to index
        %get3A_230 = arith.constant 48 : index
        %get3A_231 = tpu.vector_load %arg5[%get3A_228, %get3A_229, %get3A_230] {strides = array<i32>} : memref<2x64x200xi32, #tpu.memory_space<vmem>>, vector<16xi32>,
        %gather3A_232 = tpu.vector_load_idx %arg6[%get3A_231] : memref<5056xf32, #tpu.memory_space<vmem>>[vector<16xi32>], vector<16xf32>,
        %get3A_233 = arith.constant 1 : i32
        %get3A_234 = arith.index_cast %get3A_233 : i32 to index
        %get3A_235 = arith.index_cast %add3A_208 : i32 to index
        %get3A_236 = arith.constant 64 : index
        %get3A_237 = tpu.vector_load %arg5[%get3A_234, %get3A_235, %get3A_236] {strides = array<i32>} : memref<2x64x200xi32, #tpu.memory_space<vmem>>, vector<16xi32>,
        %gather3A_238 = tpu.vector_load_idx %arg6[%get3A_237] : memref<5056xf32, #tpu.memory_space<vmem>>[vector<16xi32>], vector<16xf32>,
        %get3A_239 = arith.constant 1 : i32
        %get3A_240 = arith.index_cast %get3A_239 : i32 to index
        %get3A_241 = arith.index_cast %add3A_208 : i32 to index
        %get3A_242 = arith.constant 80 : index
        %get3A_243 = tpu.vector_load %arg5[%get3A_240, %get3A_241, %get3A_242] {strides = array<i32>} : memref<2x64x200xi32, #tpu.memory_space<vmem>>, vector<16xi32>,
        %gather3A_244 = tpu.vector_load_idx %arg6[%get3A_243] : memref<5056xf32, #tpu.memory_space<vmem>>[vector<16xi32>], vector<16xf32>,
        %get3A_245 = arith.constant 1 : i32
        %get3A_246 = arith.index_cast %get3A_245 : i32 to index
        %get3A_247 = arith.index_cast %add3A_208 : i32 to index
        %get3A_248 = arith.constant 96 : index
        %get3A_249 = tpu.vector_load %arg5[%get3A_246, %get3A_247, %get3A_248] {strides = array<i32>} : memref<2x64x200xi32, #tpu.memory_space<vmem>>, vector<16xi32>,
        %gather3A_250 = tpu.vector_load_idx %arg6[%get3A_249] : memref<5056xf32, #tpu.memory_space<vmem>>[vector<16xi32>], vector<16xf32>,
        %get3A_251 = arith.constant 1 : i32
        %get3A_252 = arith.index_cast %get3A_251 : i32 to index
        %get3A_253 = arith.index_cast %add3A_208 : i32 to index
        %get3A_254 = arith.constant 112 : index
        %get3A_255 = tpu.vector_load %arg5[%get3A_252, %get3A_253, %get3A_254] {strides = array<i32>} : memref<2x64x200xi32, #tpu.memory_space<vmem>>, vector<16xi32>,
        %gather3A_256 = tpu.vector_load_idx %arg6[%get3A_255] : memref<5056xf32, #tpu.memory_space<vmem>>[vector<16xi32>], vector<16xf32>,
        %get3A_257 = arith.constant 1 : i32
        %get3A_258 = arith.index_cast %get3A_257 : i32 to index
        %get3A_259 = arith.index_cast %add3A_208 : i32 to index
        %get3A_260 = arith.constant 128 : index
        %get3A_261 = tpu.vector_load %arg5[%get3A_258, %get3A_259, %get3A_260] {strides = array<i32>} : memref<2x64x200xi32, #tpu.memory_space<vmem>>, vector<16xi32>,
        %gather3A_262 = tpu.vector_load_idx %arg6[%get3A_261] : memref<5056xf32, #tpu.memory_space<vmem>>[vector<16xi32>], vector<16xf32>,
        %get3A_263 = arith.constant 1 : i32
        %get3A_264 = arith.index_cast %get3A_263 : i32 to index
        %get3A_265 = arith.index_cast %add3A_208 : i32 to index
        %get3A_266 = arith.constant 144 : index
        %get3A_267 = tpu.vector_load %arg5[%get3A_264, %get3A_265, %get3A_266] {strides = array<i32>} : memref<2x64x200xi32, #tpu.memory_space<vmem>>, vector<16xi32>,
        %gather3A_268 = tpu.vector_load_idx %arg6[%get3A_267] : memref<5056xf32, #tpu.memory_space<vmem>>[vector<16xi32>], vector<16xf32>,
        %get3A_269 = arith.constant 1 : i32
        %get3A_270 = arith.index_cast %get3A_269 : i32 to index
        %get3A_271 = arith.index_cast %add3A_208 : i32 to index
        %get3A_272 = arith.constant 160 : index
        %get3A_273 = tpu.vector_load %arg5[%get3A_270, %get3A_271, %get3A_272] {strides = array<i32>} : memref<2x64x200xi32, #tpu.memory_space<vmem>>, vector<16xi32>,
        %gather3A_274 = tpu.vector_load_idx %arg6[%get3A_273] : memref<5056xf32, #tpu.memory_space<vmem>>[vector<16xi32>], vector<16xf32>,
        %get3A_275 = arith.constant 1 : i32
        %get3A_276 = arith.index_cast %get3A_275 : i32 to index
        %get3A_277 = arith.index_cast %add3A_208 : i32 to index
        %get3A_278 = arith.constant 176 : index
        %get3A_279 = tpu.vector_load %arg5[%get3A_276, %get3A_277, %get3A_278] {strides = array<i32>} : memref<2x64x200xi32, #tpu.memory_space<vmem>>, vector<16xi32>,
        %gather3A_280 = tpu.vector_load_idx %arg6[%get3A_279] : memref<5056xf32, #tpu.memory_space<vmem>>[vector<16xi32>], vector<16xf32>,
        %get3A_281 = arith.constant 1 : i32
        %get3A_282 = arith.index_cast %get3A_281 : i32 to index
        %get3A_283 = arith.index_cast %add3A_208 : i32 to index
        %get3A_284 = arith.constant 184 : index
        %get3A_285 = tpu.vector_load %arg5[%get3A_282, %get3A_283, %get3A_284] {strides = array<i32>} : memref<2x64x200xi32, #tpu.memory_space<vmem>>, vector<16xi32>,
        %gather3A_286 = tpu.vector_load_idx %arg6[%get3A_285] : memref<5056xf32, #tpu.memory_space<vmem>>[vector<16xi32>], vector<16xf32>,
        %mul3A_287 = arith.mulf %gather3A_286, %select_n3A : vector<16xf32>
        %add3A_288 = arith.addf %gather3A_214, %gather3A_220 : vector<16xf32>
        %add3A_289 = arith.addf %gather3A_226, %gather3A_232 : vector<16xf32>
        %add3A_290 = arith.addf %gather3A_238, %gather3A_244 : vector<16xf32>
        %add3A_291 = arith.addf %gather3A_250, %gather3A_256 : vector<16xf32>
        %add3A_292 = arith.addf %gather3A_262, %gather3A_268 : vector<16xf32>
        %add3A_293 = arith.addf %gather3A_274, %gather3A_280 : vector<16xf32>
        %add3A_294 = arith.addf %add3A_288, %add3A_289 : vector<16xf32>
        %add3A_295 = arith.addf %add3A_290, %add3A_291 : vector<16xf32>
        %add3A_296 = arith.addf %add3A_292, %add3A_293 : vector<16xf32>
        %add3A_297 = arith.addf %add3A_294, %add3A_295 : vector<16xf32>
        %add3A_298 = arith.addf %add3A_296, %mul3A_287 : vector<16xf32>
        %add3A_299 = arith.addf %add3A_297, %add3A_298 : vector<16xf32>
        %broadcast_in_dim3A_300 = arith.constant true
        %broadcast_in_dim3A_301 = vector.broadcast %broadcast_in_dim3A_300 : i1 to vector<16xi1>
        %masked_cumsum3A_302 = tpu.scan <sum>, %add3A_299 masked %broadcast_in_dim3A_301 : vector<16xf32>, vector<16xi1> -> vector<16xf32>
        %mul3A_303 = arith.constant 64 : i32
        %mul3A_304 = arith.muli %add3A_76, %mul3A_303 : i32
        %add3A_305 = arith.addi %mul3A_304, %add3A_208 : i32
        %broadcast_in_dim3A_306 = vector.broadcast %add3A_305 : i32 to vector<16xi32>
        tpu.vector_store_idx %arg7[%broadcast_in_dim3A_306], %masked_cumsum3A_302 masked %eq3A_35 : memref<512xf32, #tpu.memory_space<vmem>>[vector<16xi32>], vector<16xf32>, vector<16xi1>
        %add3A_307 = arith.constant 2 : i32
        %add3A_308 = arith.addi %add3A_109, %add3A_307 : i32
        %get3A_309 = arith.constant 1 : i32
        %get3A_310 = arith.index_cast %get3A_309 : i32 to index
        %get3A_311 = arith.index_cast %add3A_308 : i32 to index
        %get3A_312 = arith.constant 0 : index
        %get3A_313 = tpu.vector_load %arg5[%get3A_310, %get3A_311, %get3A_312] {strides = array<i32>} : memref<2x64x200xi32, #tpu.memory_space<vmem>>, vector<16xi32>,
        %gather3A_314 = tpu.vector_load_idx %arg6[%get3A_313] : memref<5056xf32, #tpu.memory_space<vmem>>[vector<16xi32>], vector<16xf32>,
        %get3A_315 = arith.constant 1 : i32
        %get3A_316 = arith.index_cast %get3A_315 : i32 to index
        %get3A_317 = arith.index_cast %add3A_308 : i32 to index
        %get3A_318 = arith.constant 16 : index
        %get3A_319 = tpu.vector_load %arg5[%get3A_316, %get3A_317, %get3A_318] {strides = array<i32>} : memref<2x64x200xi32, #tpu.memory_space<vmem>>, vector<16xi32>,
        %gather3A_320 = tpu.vector_load_idx %arg6[%get3A_319] : memref<5056xf32, #tpu.memory_space<vmem>>[vector<16xi32>], vector<16xf32>,
        %get3A_321 = arith.constant 1 : i32
        %get3A_322 = arith.index_cast %get3A_321 : i32 to index
        %get3A_323 = arith.index_cast %add3A_308 : i32 to index
        %get3A_324 = arith.constant 32 : index
        %get3A_325 = tpu.vector_load %arg5[%get3A_322, %get3A_323, %get3A_324] {strides = array<i32>} : memref<2x64x200xi32, #tpu.memory_space<vmem>>, vector<16xi32>,
        %gather3A_326 = tpu.vector_load_idx %arg6[%get3A_325] : memref<5056xf32, #tpu.memory_space<vmem>>[vector<16xi32>], vector<16xf32>,
        %get3A_327 = arith.constant 1 : i32
        %get3A_328 = arith.index_cast %get3A_327 : i32 to index
        %get3A_329 = arith.index_cast %add3A_308 : i32 to index
        %get3A_330 = arith.constant 48 : index
        %get3A_331 = tpu.vector_load %arg5[%get3A_328, %get3A_329, %get3A_330] {strides = array<i32>} : memref<2x64x200xi32, #tpu.memory_space<vmem>>, vector<16xi32>,
        %gather3A_332 = tpu.vector_load_idx %arg6[%get3A_331] : memref<5056xf32, #tpu.memory_space<vmem>>[vector<16xi32>], vector<16xf32>,
        %get3A_333 = arith.constant 1 : i32
        %get3A_334 = arith.index_cast %get3A_333 : i32 to index
        %get3A_335 = arith.index_cast %add3A_308 : i32 to index
        %get3A_336 = arith.constant 64 : index
        %get3A_337 = tpu.vector_load %arg5[%get3A_334, %get3A_335, %get3A_336] {strides = array<i32>} : memref<2x64x200xi32, #tpu.memory_space<vmem>>, vector<16xi32>,
        %gather3A_338 = tpu.vector_load_idx %arg6[%get3A_337] : memref<5056xf32, #tpu.memory_space<vmem>>[vector<16xi32>], vector<16xf32>,
        %get3A_339 = arith.constant 1 : i32
        %get3A_340 = arith.index_cast %get3A_339 : i32 to index
        %get3A_341 = arith.index_cast %add3A_308 : i32 to index
        %get3A_342 = arith.constant 80 : index
        %get3A_343 = tpu.vector_load %arg5[%get3A_340, %get3A_341, %get3A_342] {strides = array<i32>} : memref<2x64x200xi32, #tpu.memory_space<vmem>>, vector<16xi32>,
        %gather3A_344 = tpu.vector_load_idx %arg6[%get3A_343] : memref<5056xf32, #tpu.memory_space<vmem>>[vector<16xi32>], vector<16xf32>,
        %get3A_345 = arith.constant 1 : i32
        %get3A_346 = arith.index_cast %get3A_345 : i32 to index
        %get3A_347 = arith.index_cast %add3A_308 : i32 to index
        %get3A_348 = arith.constant 96 : index
        %get3A_349 = tpu.vector_load %arg5[%get3A_346, %get3A_347, %get3A_348] {strides = array<i32>} : memref<2x64x200xi32, #tpu.memory_space<vmem>>, vector<16xi32>,
        %gather3A_350 = tpu.vector_load_idx %arg6[%get3A_349] : memref<5056xf32, #tpu.memory_space<vmem>>[vector<16xi32>], vector<16xf32>,
        %get3A_351 = arith.constant 1 : i32
        %get3A_352 = arith.index_cast %get3A_351 : i32 to index
        %get3A_353 = arith.index_cast %add3A_308 : i32 to index
        %get3A_354 = arith.constant 112 : index
        %get3A_355 = tpu.vector_load %arg5[%get3A_352, %get3A_353, %get3A_354] {strides = array<i32>} : memref<2x64x200xi32, #tpu.memory_space<vmem>>, vector<16xi32>,
        %gather3A_356 = tpu.vector_load_idx %arg6[%get3A_355] : memref<5056xf32, #tpu.memory_space<vmem>>[vector<16xi32>], vector<16xf32>,
        %get3A_357 = arith.constant 1 : i32
        %get3A_358 = arith.index_cast %get3A_357 : i32 to index
        %get3A_359 = arith.index_cast %add3A_308 : i32 to index
        %get3A_360 = arith.constant 128 : index
        %get3A_361 = tpu.vector_load %arg5[%get3A_358, %get3A_359, %get3A_360] {strides = array<i32>} : memref<2x64x200xi32, #tpu.memory_space<vmem>>, vector<16xi32>,
        %gather3A_362 = tpu.vector_load_idx %arg6[%get3A_361] : memref<5056xf32, #tpu.memory_space<vmem>>[vector<16xi32>], vector<16xf32>,
        %get3A_363 = arith.constant 1 : i32
        %get3A_364 = arith.index_cast %get3A_363 : i32 to index
        %get3A_365 = arith.index_cast %add3A_308 : i32 to index
        %get3A_366 = arith.constant 144 : index
        %get3A_367 = tpu.vector_load %arg5[%get3A_364, %get3A_365, %get3A_366] {strides = array<i32>} : memref<2x64x200xi32, #tpu.memory_space<vmem>>, vector<16xi32>,
        %gather3A_368 = tpu.vector_load_idx %arg6[%get3A_367] : memref<5056xf32, #tpu.memory_space<vmem>>[vector<16xi32>], vector<16xf32>,
        %get3A_369 = arith.constant 1 : i32
        %get3A_370 = arith.index_cast %get3A_369 : i32 to index
        %get3A_371 = arith.index_cast %add3A_308 : i32 to index
        %get3A_372 = arith.constant 160 : index
        %get3A_373 = tpu.vector_load %arg5[%get3A_370, %get3A_371, %get3A_372] {strides = array<i32>} : memref<2x64x200xi32, #tpu.memory_space<vmem>>, vector<16xi32>,
        %gather3A_374 = tpu.vector_load_idx %arg6[%get3A_373] : memref<5056xf32, #tpu.memory_space<vmem>>[vector<16xi32>], vector<16xf32>,
        %get3A_375 = arith.constant 1 : i32
        %get3A_376 = arith.index_cast %get3A_375 : i32 to index
        %get3A_377 = arith.index_cast %add3A_308 : i32 to index
        %get3A_378 = arith.constant 176 : index
        %get3A_379 = tpu.vector_load %arg5[%get3A_376, %get3A_377, %get3A_378] {strides = array<i32>} : memref<2x64x200xi32, #tpu.memory_space<vmem>>, vector<16xi32>,
        %gather3A_380 = tpu.vector_load_idx %arg6[%get3A_379] : memref<5056xf32, #tpu.memory_space<vmem>>[vector<16xi32>], vector<16xf32>,
        %get3A_381 = arith.constant 1 : i32
        %get3A_382 = arith.index_cast %get3A_381 : i32 to index
        %get3A_383 = arith.index_cast %add3A_308 : i32 to index
        %get3A_384 = arith.constant 184 : index
        %get3A_385 = tpu.vector_load %arg5[%get3A_382, %get3A_383, %get3A_384] {strides = array<i32>} : memref<2x64x200xi32, #tpu.memory_space<vmem>>, vector<16xi32>,
        %gather3A_386 = tpu.vector_load_idx %arg6[%get3A_385] : memref<5056xf32, #tpu.memory_space<vmem>>[vector<16xi32>], vector<16xf32>,
        %mul3A_387 = arith.mulf %gather3A_386, %select_n3A : vector<16xf32>
        %add3A_388 = arith.addf %gather3A_314, %gather3A_320 : vector<16xf32>
        %add3A_389 = arith.addf %gather3A_326, %gather3A_332 : vector<16xf32>
        %add3A_390 = arith.addf %gather3A_338, %gather3A_344 : vector<16xf32>
        %add3A_391 = arith.addf %gather3A_350, %gather3A_356 : vector<16xf32>
        %add3A_392 = arith.addf %gather3A_362, %gather3A_368 : vector<16xf32>
        %add3A_393 = arith.addf %gather3A_374, %gather3A_380 : vector<16xf32>
        %add3A_394 = arith.addf %add3A_388, %add3A_389 : vector<16xf32>
        %add3A_395 = arith.addf %add3A_390, %add3A_391 : vector<16xf32>
        %add3A_396 = arith.addf %add3A_392, %add3A_393 : vector<16xf32>
        %add3A_397 = arith.addf %add3A_394, %add3A_395 : vector<16xf32>
        %add3A_398 = arith.addf %add3A_396, %mul3A_387 : vector<16xf32>
        %add3A_399 = arith.addf %add3A_397, %add3A_398 : vector<16xf32>
        %broadcast_in_dim3A_400 = arith.constant true
        %broadcast_in_dim3A_401 = vector.broadcast %broadcast_in_dim3A_400 : i1 to vector<16xi1>
        %masked_cumsum3A_402 = tpu.scan <sum>, %add3A_399 masked %broadcast_in_dim3A_401 : vector<16xf32>, vector<16xi1> -> vector<16xf32>
        %mul3A_403 = arith.constant 64 : i32
        %mul3A_404 = arith.muli %add3A_76, %mul3A_403 : i32
        %add3A_405 = arith.addi %mul3A_404, %add3A_308 : i32
        %broadcast_in_dim3A_406 = vector.broadcast %add3A_405 : i32 to vector<16xi32>
        tpu.vector_store_idx %arg7[%broadcast_in_dim3A_406], %masked_cumsum3A_402 masked %eq3A_35 : memref<512xf32, #tpu.memory_space<vmem>>[vector<16xi32>], vector<16xf32>, vector<16xi1>
        %add3A_407 = arith.constant 3 : i32
        %add3A_408 = arith.addi %add3A_109, %add3A_407 : i32
        %get3A_409 = arith.constant 1 : i32
        %get3A_410 = arith.index_cast %get3A_409 : i32 to index
        %get3A_411 = arith.index_cast %add3A_408 : i32 to index
        %get3A_412 = arith.constant 0 : index
        %get3A_413 = tpu.vector_load %arg5[%get3A_410, %get3A_411, %get3A_412] {strides = array<i32>} : memref<2x64x200xi32, #tpu.memory_space<vmem>>, vector<16xi32>,
        %gather3A_414 = tpu.vector_load_idx %arg6[%get3A_413] : memref<5056xf32, #tpu.memory_space<vmem>>[vector<16xi32>], vector<16xf32>,
        %get3A_415 = arith.constant 1 : i32
        %get3A_416 = arith.index_cast %get3A_415 : i32 to index
        %get3A_417 = arith.index_cast %add3A_408 : i32 to index
        %get3A_418 = arith.constant 16 : index
        %get3A_419 = tpu.vector_load %arg5[%get3A_416, %get3A_417, %get3A_418] {strides = array<i32>} : memref<2x64x200xi32, #tpu.memory_space<vmem>>, vector<16xi32>,
        %gather3A_420 = tpu.vector_load_idx %arg6[%get3A_419] : memref<5056xf32, #tpu.memory_space<vmem>>[vector<16xi32>], vector<16xf32>,
        %get3A_421 = arith.constant 1 : i32
        %get3A_422 = arith.index_cast %get3A_421 : i32 to index
        %get3A_423 = arith.index_cast %add3A_408 : i32 to index
        %get3A_424 = arith.constant 32 : index
        %get3A_425 = tpu.vector_load %arg5[%get3A_422, %get3A_423, %get3A_424] {strides = array<i32>} : memref<2x64x200xi32, #tpu.memory_space<vmem>>, vector<16xi32>,
        %gather3A_426 = tpu.vector_load_idx %arg6[%get3A_425] : memref<5056xf32, #tpu.memory_space<vmem>>[vector<16xi32>], vector<16xf32>,
        %get3A_427 = arith.constant 1 : i32
        %get3A_428 = arith.index_cast %get3A_427 : i32 to index
        %get3A_429 = arith.index_cast %add3A_408 : i32 to index
        %get3A_430 = arith.constant 48 : index
        %get3A_431 = tpu.vector_load %arg5[%get3A_428, %get3A_429, %get3A_430] {strides = array<i32>} : memref<2x64x200xi32, #tpu.memory_space<vmem>>, vector<16xi32>,
        %gather3A_432 = tpu.vector_load_idx %arg6[%get3A_431] : memref<5056xf32, #tpu.memory_space<vmem>>[vector<16xi32>], vector<16xf32>,
        %get3A_433 = arith.constant 1 : i32
        %get3A_434 = arith.index_cast %get3A_433 : i32 to index
        %get3A_435 = arith.index_cast %add3A_408 : i32 to index
        %get3A_436 = arith.constant 64 : index
        %get3A_437 = tpu.vector_load %arg5[%get3A_434, %get3A_435, %get3A_436] {strides = array<i32>} : memref<2x64x200xi32, #tpu.memory_space<vmem>>, vector<16xi32>,
        %gather3A_438 = tpu.vector_load_idx %arg6[%get3A_437] : memref<5056xf32, #tpu.memory_space<vmem>>[vector<16xi32>], vector<16xf32>,
        %get3A_439 = arith.constant 1 : i32
        %get3A_440 = arith.index_cast %get3A_439 : i32 to index
        %get3A_441 = arith.index_cast %add3A_408 : i32 to index
        %get3A_442 = arith.constant 80 : index
        %get3A_443 = tpu.vector_load %arg5[%get3A_440, %get3A_441, %get3A_442] {strides = array<i32>} : memref<2x64x200xi32, #tpu.memory_space<vmem>>, vector<16xi32>,
        %gather3A_444 = tpu.vector_load_idx %arg6[%get3A_443] : memref<5056xf32, #tpu.memory_space<vmem>>[vector<16xi32>], vector<16xf32>,
        %get3A_445 = arith.constant 1 : i32
        %get3A_446 = arith.index_cast %get3A_445 : i32 to index
        %get3A_447 = arith.index_cast %add3A_408 : i32 to index
        %get3A_448 = arith.constant 96 : index
        %get3A_449 = tpu.vector_load %arg5[%get3A_446, %get3A_447, %get3A_448] {strides = array<i32>} : memref<2x64x200xi32, #tpu.memory_space<vmem>>, vector<16xi32>,
        %gather3A_450 = tpu.vector_load_idx %arg6[%get3A_449] : memref<5056xf32, #tpu.memory_space<vmem>>[vector<16xi32>], vector<16xf32>,
        %get3A_451 = arith.constant 1 : i32
        %get3A_452 = arith.index_cast %get3A_451 : i32 to index
        %get3A_453 = arith.index_cast %add3A_408 : i32 to index
        %get3A_454 = arith.constant 112 : index
        %get3A_455 = tpu.vector_load %arg5[%get3A_452, %get3A_453, %get3A_454] {strides = array<i32>} : memref<2x64x200xi32, #tpu.memory_space<vmem>>, vector<16xi32>,
        %gather3A_456 = tpu.vector_load_idx %arg6[%get3A_455] : memref<5056xf32, #tpu.memory_space<vmem>>[vector<16xi32>], vector<16xf32>,
        %get3A_457 = arith.constant 1 : i32
        %get3A_458 = arith.index_cast %get3A_457 : i32 to index
        %get3A_459 = arith.index_cast %add3A_408 : i32 to index
        %get3A_460 = arith.constant 128 : index
        %get3A_461 = tpu.vector_load %arg5[%get3A_458, %get3A_459, %get3A_460] {strides = array<i32>} : memref<2x64x200xi32, #tpu.memory_space<vmem>>, vector<16xi32>,
        %gather3A_462 = tpu.vector_load_idx %arg6[%get3A_461] : memref<5056xf32, #tpu.memory_space<vmem>>[vector<16xi32>], vector<16xf32>,
        %get3A_463 = arith.constant 1 : i32
        %get3A_464 = arith.index_cast %get3A_463 : i32 to index
        %get3A_465 = arith.index_cast %add3A_408 : i32 to index
        %get3A_466 = arith.constant 144 : index
        %get3A_467 = tpu.vector_load %arg5[%get3A_464, %get3A_465, %get3A_466] {strides = array<i32>} : memref<2x64x200xi32, #tpu.memory_space<vmem>>, vector<16xi32>,
        %gather3A_468 = tpu.vector_load_idx %arg6[%get3A_467] : memref<5056xf32, #tpu.memory_space<vmem>>[vector<16xi32>], vector<16xf32>,
        %get3A_469 = arith.constant 1 : i32
        %get3A_470 = arith.index_cast %get3A_469 : i32 to index
        %get3A_471 = arith.index_cast %add3A_408 : i32 to index
        %get3A_472 = arith.constant 160 : index
        %get3A_473 = tpu.vector_load %arg5[%get3A_470, %get3A_471, %get3A_472] {strides = array<i32>} : memref<2x64x200xi32, #tpu.memory_space<vmem>>, vector<16xi32>,
        %gather3A_474 = tpu.vector_load_idx %arg6[%get3A_473] : memref<5056xf32, #tpu.memory_space<vmem>>[vector<16xi32>], vector<16xf32>,
        %get3A_475 = arith.constant 1 : i32
        %get3A_476 = arith.index_cast %get3A_475 : i32 to index
        %get3A_477 = arith.index_cast %add3A_408 : i32 to index
        %get3A_478 = arith.constant 176 : index
        %get3A_479 = tpu.vector_load %arg5[%get3A_476, %get3A_477, %get3A_478] {strides = array<i32>} : memref<2x64x200xi32, #tpu.memory_space<vmem>>, vector<16xi32>,
        %gather3A_480 = tpu.vector_load_idx %arg6[%get3A_479] : memref<5056xf32, #tpu.memory_space<vmem>>[vector<16xi32>], vector<16xf32>,
        %get3A_481 = arith.constant 1 : i32
        %get3A_482 = arith.index_cast %get3A_481 : i32 to index
        %get3A_483 = arith.index_cast %add3A_408 : i32 to index
        %get3A_484 = arith.constant 184 : index
        %get3A_485 = tpu.vector_load %arg5[%get3A_482, %get3A_483, %get3A_484] {strides = array<i32>} : memref<2x64x200xi32, #tpu.memory_space<vmem>>, vector<16xi32>,
        %gather3A_486 = tpu.vector_load_idx %arg6[%get3A_485] : memref<5056xf32, #tpu.memory_space<vmem>>[vector<16xi32>], vector<16xf32>,
        %mul3A_487 = arith.mulf %gather3A_486, %select_n3A : vector<16xf32>
        %add3A_488 = arith.addf %gather3A_414, %gather3A_420 : vector<16xf32>
        %add3A_489 = arith.addf %gather3A_426, %gather3A_432 : vector<16xf32>
        %add3A_490 = arith.addf %gather3A_438, %gather3A_444 : vector<16xf32>
        %add3A_491 = arith.addf %gather3A_450, %gather3A_456 : vector<16xf32>
        %add3A_492 = arith.addf %gather3A_462, %gather3A_468 : vector<16xf32>
        %add3A_493 = arith.addf %gather3A_474, %gather3A_480 : vector<16xf32>
        %add3A_494 = arith.addf %add3A_488, %add3A_489 : vector<16xf32>
        %add3A_495 = arith.addf %add3A_490, %add3A_491 : vector<16xf32>
        %add3A_496 = arith.addf %add3A_492, %add3A_493 : vector<16xf32>
        %add3A_497 = arith.addf %add3A_494, %add3A_495 : vector<16xf32>
        %add3A_498 = arith.addf %add3A_496, %mul3A_487 : vector<16xf32>
        %add3A_499 = arith.addf %add3A_497, %add3A_498 : vector<16xf32>
        %broadcast_in_dim3A_500 = arith.constant true
        %broadcast_in_dim3A_501 = vector.broadcast %broadcast_in_dim3A_500 : i1 to vector<16xi1>
        %masked_cumsum3A_502 = tpu.scan <sum>, %add3A_499 masked %broadcast_in_dim3A_501 : vector<16xf32>, vector<16xi1> -> vector<16xf32>
        %mul3A_503 = arith.constant 64 : i32
        %mul3A_504 = arith.muli %add3A_76, %mul3A_503 : i32
        %add3A_505 = arith.addi %mul3A_504, %add3A_408 : i32
        %broadcast_in_dim3A_506 = vector.broadcast %add3A_505 : i32 to vector<16xi32>
        tpu.vector_store_idx %arg7[%broadcast_in_dim3A_506], %masked_cumsum3A_502 masked %eq3A_35 : memref<512xf32, #tpu.memory_space<vmem>>[vector<16xi32>], vector<16xf32>, vector<16xi1>
      }
      %scan3A_97 = arith.constant 16 : i32
      %add3A_98 = arith.constant 2 : i32
      %add3A_99 = arith.addi %add3A_76, %add3A_98 : i32
      %lt3A_100 = arith.constant 8 : i32
      %lt3A_101 = arith.cmpi slt, %add3A_99, %lt3A_100 : i32
      %convert_element_type3A_102 = arith.extui %lt3A_101 : i1 to i32
      %cond3A_103 = arith.constant 0 : i32
      %cond3A_104 = arith.cmpi ne, %convert_element_type3A_102, %cond3A_103 : i32
      scf.if %cond3A_104 {
        %add3A_105 = arith.constant 2 : i32
        %add3A_106 = arith.addi %add3A_76, %add3A_105 : i32
        %mul3A_107 = arith.constant 64 : i32
        %mul3A_108 = arith.muli %add3A_106, %mul3A_107 : i32
        %add3A_109 = arith.addi %mul3A_2, %mul3A_108 : i32
        %dma_start3A_110 = arith.constant 1 : i32
        %dma_start3A_111 = arith.constant 0 : i32
        %dma_start3A_112 = arith.constant 0 : i32
        %dma_start3A_113 = tpu.memref_slice %arg5[%dma_start3A_110, %dma_start3A_111, %dma_start3A_112] : memref<2x64x200xi32, #tpu.memory_space<vmem>> -> memref<1x64x200xi32, #tpu.memory_space<vmem>>
        %dma_start3A_114 = tpu.memref_squeeze %dma_start3A_113 : memref<1x64x200xi32, #tpu.memory_space<vmem>> -> memref<64x200xi32, #tpu.memory_space<vmem>>
        %dma_start3A_115 = arith.constant 0 : i32
        %dma_start3A_116 = tpu.memref_slice %arg2[%add3A_109, %dma_start3A_115] : memref<16384x200xi32, #tpu.memory_space<hbm>> -> memref<64x200xi32, #tpu.memory_space<hbm>>
        %dma_start3A_117 = arith.constant 0 : i32
        %dma_start3A_118 = arith.constant 0 : i32
        %dma_start3A_119 = tpu.memref_slice %arg5[%dma_start3A_110, %dma_start3A_117, %dma_start3A_118] : memref<2x64x200xi32, #tpu.memory_space<vmem>> -> memref<1x64x200xi32, #tpu.memory_space<vmem>>
        %dma_start3A_120 = tpu.memref_squeeze %dma_start3A_119 : memref<1x64x200xi32, #tpu.memory_space<vmem>> -> memref<64x200xi32, #tpu.memory_space<vmem>>
        %dma_start3A_121 = arith.constant 0 : i32
        %dma_start3A_122 = tpu.memref_slice %arg2[%add3A_109, %dma_start3A_121] : memref<16384x200xi32, #tpu.memory_space<hbm>> -> memref<64x200xi32, #tpu.memory_space<hbm>>
        tpu.enqueue_dma source(%dma_start3A_122 : memref<64x200xi32, #tpu.memory_space<hbm>>) target(%dma_start3A_120 : memref<64x200xi32, #tpu.memory_space<vmem>>) target_semaphore(%arg10 : memref<!tpu.dma_semaphore, #tpu.memory_space<semaphore_mem>>)
      } else {
      }
    }
    %scan3A_43 = arith.constant 4 : i32
    "tpu.region"() ({
      %run_scoped3A = tpu.sem_alloc : memref<!tpu.dma_semaphore, #tpu.memory_space<semaphore_mem>>
      %dma_start3A_44 = tpu.memref_slice %arg4[%mul3A_2] : memref<16384xf32, #tpu.memory_space<hbm>> -> memref<512xf32, #tpu.memory_space<hbm>>
      %dma_start3A_45 = tpu.memref_slice %arg4[%mul3A_2] : memref<16384xf32, #tpu.memory_space<hbm>> -> memref<512xf32, #tpu.memory_space<hbm>>
      tpu.enqueue_dma source(%arg7 : memref<512xf32, #tpu.memory_space<vmem>>) target(%dma_start3A_45 : memref<512xf32, #tpu.memory_space<hbm>>) target_semaphore(%run_scoped3A : memref<!tpu.dma_semaphore, #tpu.memory_space<semaphore_mem>>)
      %dma_wait3A = tpu.memref_slice %arg4[%mul3A_2] : memref<16384xf32, #tpu.memory_space<hbm>> -> memref<512xf32, #tpu.memory_space<hbm>>
      %dma_wait3A_46 = tpu.memref_slice %arg4[%mul3A_2] : memref<16384xf32, #tpu.memory_space<hbm>> -> memref<512xf32, #tpu.memory_space<hbm>>
      tpu.wait_dma2 semaphore(%run_scoped3A : memref<!tpu.dma_semaphore, #tpu.memory_space<semaphore_mem>>) src(%arg7 : memref<512xf32, #tpu.memory_space<vmem>>) dst(%dma_wait3A_46 : memref<512xf32, #tpu.memory_space<hbm>>)
      tpu.yield
    }) : () -> ()
    return
  }
}

module attributes {stable_mosaic.version = 14 : i64} {
  func.func @_fold_head_body(%arg0: memref<5056x50xf32, #tpu.memory_space<vmem>>, %arg1: memref<1x50xf32, #tpu.memory_space<vmem>>, %arg2: memref<1xf32, #tpu.memory_space<smem>>, %arg3: memref<5056x1xf32, #tpu.memory_space<vmem>>) attributes {dimension_semantics = [], scalar_prefetch = 0 : i64, scratch_operands = 0 : i64, tpu.core_type = #tpu.core_type<tc>} {
    %get3A = arith.constant 0 : index
    %get3A_0 = arith.constant 0 : index
    %get3A_1 = vector.load %arg0[%get3A, %get3A_0] : memref<5056x50xf32, #tpu.memory_space<vmem>>, vector<5056x50xf32>
    %get3A_2 = arith.constant 0 : index
    %get3A_3 = arith.constant 0 : index
    %get3A_4 = vector.load %arg1[%get3A_2, %get3A_3] : memref<1x50xf32, #tpu.memory_space<vmem>>, vector<1x50xf32>
    %dot_general3A = arith.constant dense<0.000000e+00> : vector<5056x1xf32>
    %dot_general3A_5 = tpu.matmul %get3A_1, %get3A_4, %dot_general3A {dimension_numbers = #tpu.dot_dimension_numbers<[1], [1], [0], [0], [0, 0, 1, 0], [], []>, transpose_lhs_hint = false} : vector<5056x50xf32>, vector<1x50xf32>, vector<5056x1xf32> -> vector<5056x1xf32>
    %mul3A = arith.constant 5.000000e-03 : f32
    %mul3A_6 = vector.broadcast %mul3A : f32 to vector<5056x1xf32>
    %mul3A_7 = arith.mulf %dot_general3A_5, %mul3A_6 : vector<5056x1xf32>
    %get3A_8 = arith.constant 0 : index
    %get3A_9 = memref.load %arg2[%get3A_8] : memref<1xf32, #tpu.memory_space<smem>>
    %mul3A_10 = arith.constant 5.000000e-03 : f32
    %mul3A_11 = arith.mulf %get3A_9, %mul3A_10 : f32
    %add3A = vector.broadcast %mul3A_11 : f32 to vector<5056x1xf32>
    %add3A_12 = arith.addf %mul3A_7, %add3A : vector<5056x1xf32>
    %swap3A = arith.constant 0 : index
    %swap3A_13 = arith.constant 0 : index
    %swap3A_14 = vector.load %arg3[%swap3A, %swap3A_13] : memref<5056x1xf32, #tpu.memory_space<vmem>>, vector<5056x1xf32>
    tpu.vector_store %arg3[%swap3A, %swap3A_13], %add3A_12 {strides = array<i32>} : memref<5056x1xf32, #tpu.memory_space<vmem>>, vector<5056x1xf32>,
    return
  }
}

</mosaic_0001>

<sc_bundles>
// kernel: kernel.4.cloned.1.call-start
scs
__scs_entry_jumppad:
0x0: {  	(pc) =	sbr.rel $0x88, $3  }
0x1: {  	(tag) =	ssettag $0x0;
	lr =	simm.s32 $0x1  }
0x2: {  	[smem:$0x3F9D] =	sst lr;
	_ =	strace $0xD0000000  }
0x3: {  	_ = 	snop  }
0x4: {  	_ = 	snop  }
0x5: {  	_ = 	snop  }
0x6: {  	_ = 	snop  }
0x7: {  	_ = 	snop  }
__scs_overlays_trampoline_lowered:
0x8: {  	[smem:$0x3FAC] =	sst s0  }
0x9: {  	[smem:$0x3FAD] =	sst s1  }
0xa: {  	[smem:$0x3FAE] =	sst s2  }
0xb: {  	[smem:$0x3FAF] =	sst s3  }
0xc: {  	[smem:$0x3FB0] =	sst s4  }
0xd: {  	[smem:$0x3FB1] =	sst s5  }
0xe: {  	[smem:$0x3FB2] =	sst s6  }
0xf: {  	[smem:$0x3FB3] =	sst s7  }
0x10: {  	[smem:$0x3FB4] =	sst s8  }
0x11: {  	[smem:$0x3FB5] =	sst s9;
	s0 =	simm.s32 @!p0 $0x0  }
0x12: {  	s1 =	sld [smem:$0x3F9B];
	s0 =	simm.s32 @p0 $0x1  }
0x13: {  	[smem:$0x3FB6] =	sst s0;
	s0 =	simm.s32 @!p1 $0x0  }
0x14: {  	s2 =	sld [smem:$0x3F9A];
	s0 =	simm.s32 @p1 $0x1  }
0x15: {  	[smem:$0x3FB7] =	sst s0;
	s0 =	simm.s32 @!p2 $0x0  }
0x16: {  	s3 =	sld [smem:$0x3FDB];
	s0 =	simm.s32 @p2 $0x1  }
0x17: {  	s4 =	simm.s32 $0x1BF5;
	[smem:$0x3FB9] =	sst s0  }
0x18: {  	s0 =	sld [smem:$0x3F9C];
	_ =	swait.ge [sflag:s4], $0x0  }
0x19: {  	s7 =	sld [smem:$0x3F9D]  }
0x1a: {  	s8 =	sadd.s32 $0xFFFFE003, lr  }
0x1b: {  	s9 =	sadd.s32 $0xFFFFFEF7, lr;
	s5 =	simm.s32 $0xFFFFFFFF;
	p2 =	slt.u32 s8, $0xFFFFF086  }
0x1c: {  	p1 =	slt.u32 s9, $0xF7A;
	s5 =	simm.s32 @!p2 $0x0  }
0x1d: {  	s5 =	simm.s32 @p1 $0x1;
	p0 =	seq.s32 s7, s2  }
0x1e: {  	s7 =	smul.u32 @!p0 $0xF7A, s2;
	p2 =	seq.s32 @!p0 s5, $0x0  }
0x1f: {  	s9 =	smul.u32 $0xF7A, s1;
	s8 =	simm.s32 @!p0 $0x1BF5;
	p2 =	por !p2, p0  }
0x20: {  	[sflag:s8] =	ssyncset.s32 @!p0 $0xFFFFF086;
	s6 =	sadd.s32 @!p0 s3, s7;
	s7 =	simm.s32 @!p0 $0x108  }
0x21: {  	s3 =	sadd.s32 s3, s9;
	s6 =	sadd.s32 @!p0 $0x88, s6;
	s7 =	simm.s32 @p2 $0x1082  }
0x22: {  	[simem:s7], [sflag:s8] =	dma.local @!p0 [hbm:s6], $0xF7A  }
0x23: {  	s9 =	sor.u32 $0xD0000000, s2;
	s6 =	simm.s32 $0x108;
	_ =	swait.ge @!p0 [sflag:s8], $0x0  }
0x24: {  	s3 =	sadd.s32 $0x88, s3;
	s6 =	simm.s32 @!p1 $0x1082;
	[sflag:s4] =	ssyncset.s32 $0xFFFFF086  }
0x25: {  	[simem:s6], [sflag:s4] =	dma.local [hbm:s3], $0xF7A  }
0x26: {  	[smem:$0x3F9D] =	sst s1;
	(tag) =	ssettag s2;
	_ =	strace s9  }
0x27: {  	s1 =	sld [smem:$0x3FAD]  }
0x28: {  	s2 =	sld [smem:$0x3FAE]  }
0x29: {  	s4 =	sld [smem:$0x3FB0]  }
0x2a: {  	p0 =	seq.s32 s5, $0x0;
	s5 =	sld [smem:$0x3FB1]  }
0x2b: {  	s6 =	sld [smem:$0x3FB2]  }
0x2c: {  	s7 =	sld [smem:$0x3FB3]  }
0x2d: {  	s3 =	simm.s32 $0x108;
	s8 =	sld [smem:$0x3FB4]  }
0x2e: {  	s3 =	simm.s32 @!p0 $0x1082;
	s9 =	sld [smem:$0x3FB5]  }
0x2f: {  	lr =	sadd.s32 s0, s3;
	s0 =	sld [smem:$0x3FAC]  }
0x30: {  	s3 =	sld [smem:$0x3FAF]  }
0x31: {  	[smem:$0x3FB8] =	sst s10  }
0x32: {  	s10 =	sld [smem:$0x3FB6];
	_ =	sdelay $0x3  }
0x33: {  	p0 =	seq.s32 s10, $0x1;
	s10 =	sld [smem:$0x3FB8];
	_ =	sdelay $0x3  }
0x34: {  	[smem:$0x3FB8] =	sst s10  }
0x35: {  	s10 =	sld [smem:$0x3FB7];
	_ =	sdelay $0x3  }
0x36: {  	p1 =	seq.s32 s10, $0x1;
	s10 =	sld [smem:$0x3FB8];
	_ =	sdelay $0x3  }
0x37: {  	[smem:$0x3FB8] =	sst s10  }
0x38: {  	s10 =	sld [smem:$0x3FB9]  }
0x39: {  	_ = 	snop;
	(pc) =	sbr.ind lr, $3  }
0x3a: {  	_ = 	snop  }
0x3b: {  	_ = 	snop  }
0x3c: {  	p2 =	seq.s32 s10, $0x1;
	s10 =	sld [smem:$0x3FB8]  }
0x3d: {  	_ =	shalt  }
0x3e: {  	_ =	shalt  }
0x3f: {  	_ =	shalt  }
0x40: {  	_ =	shalt  }
0x41: {  	_ =	shalt  }
0x42: {  	_ =	shalt  }
0x43: {  	_ =	shalt  }
0x44: {  	_ =	shalt  }
0x45: {  	_ =	shalt  }
0x46: {  	_ =	shalt  }
0x47: {  	_ =	shalt  }
0x48: {  	_ =	shalt  }
0x49: {  	_ =	shalt  }
0x4a: {  	_ =	shalt  }
0x4b: {  	_ =	shalt  }
0x4c: {  	_ =	shalt  }
0x4d: {  	_ =	shalt  }
0x4e: {  	_ =	shalt  }
0x4f: {  	_ =	shalt  }
0x50: {  	_ =	shalt  }
0x51: {  	_ =	shalt  }
0x52: {  	_ =	shalt  }
0x53: {  	_ =	shalt  }
0x54: {  	_ =	shalt  }
0x55: {  	_ =	shalt  }
0x56: {  	_ =	shalt  }
0x57: {  	_ =	shalt  }
0x58: {  	_ =	shalt  }
0x59: {  	_ =	shalt  }
0x5a: {  	_ =	shalt  }
0x5b: {  	_ =	shalt  }
0x5c: {  	_ =	shalt  }
0x5d: {  	_ =	shalt  }
0x5e: {  	_ =	shalt  }
0x5f: {  	_ =	shalt  }
0x60: {  	_ =	shalt  }
0x61: {  	_ =	shalt  }
0x62: {  	_ =	shalt  }
0x63: {  	_ =	shalt  }
0x64: {  	_ =	shalt  }
0x65: {  	_ =	shalt  }
0x66: {  	_ =	shalt  }
0x67: {  	_ =	shalt  }
0x68: {  	_ =	shalt  }
0x69: {  	_ =	shalt  }
0x6a: {  	_ =	shalt  }
0x6b: {  	_ =	shalt  }
0x6c: {  	_ =	shalt  }
0x6d: {  	_ =	shalt  }
0x6e: {  	_ =	shalt  }
0x6f: {  	_ =	shalt  }
0x70: {  	_ =	shalt  }
0x71: {  	_ =	shalt  }
0x72: {  	_ =	shalt  }
0x73: {  	_ =	shalt  }
0x74: {  	_ =	shalt  }
0x75: {  	_ =	shalt  }
0x76: {  	_ =	shalt  }
0x77: {  	_ =	shalt  }
0x78: {  	_ =	shalt  }
0x79: {  	_ =	shalt  }
0x7a: {  	_ =	shalt  }
0x7b: {  	_ =	shalt  }
0x7c: {  	_ =	shalt  }
0x7d: {  	_ =	shalt  }
0x7e: {  	_ =	shalt  }
0x7f: {  	_ =	shalt  }
0x80: {  	_ =	shalt  }
0x81: {  	_ =	shalt  }
0x82: {  	_ =	shalt  }
0x83: {  	_ =	shalt  }
0x84: {  	_ =	shalt  }
0x85: {  	_ =	shalt  }
0x86: {  	_ =	shalt  }
0x87: {  	_ =	shalt  }
.Lfunc_end0:
.L_simem_size_0:
called_computation_lowered:
.L_overlay_start_0:
0x88: {  	s2 =	sld [smem:$0x3FD9]  }
0x89: {  	s3 =	sld [smem:$0x3FFE];
	_ =	sdelay $0x1  }
0x8a: {  	s1 =	srdreg.scid  }
0x8b: {  	s0 =	sand.u32 $0x1, s1  }
0x8c: {  	s17 =	sshll.u32 s0, $0xA;
	s2 =	sadd.s32 s3, s2  }
0x8d: {  	s2 =	sadd.s32 s2, s17  }
0x8e: {  	[smem:$0x3FC4] =	sst s2  }
0x8f: {  	_ = 	snop  }
0x90: {  	s2 =	sld [smem:$0x3FD0];
	(tm) =	ssettm $0x1  }
0x91: {  	s18 =	sld [smem:$0x3FFB];
	_ =	sdelay $0x3  }
0x92: {  	_ =	strace s18  }
0x93: {  	s3 =	sld [smem:$0x3FFC];
	_ =	sdelay $0x3  }
0x94: {  	_ =	strace s3  }
0x95: {  	s3 =	sld [smem:$0x3FFD];
	_ =	sdelay $0x3  }
0x96: {  	_ =	strace s3  }
0x97: {  	_ =	strace $0x8FFFFFFF  }
0x98: {  	s19 =	sld [smem:$0x3FDB];
	_ =	sdelay $0x1  }
0x99: {  	s4 =	simm.s32 $_scs_section_size  }
0x9a: {  	s5 =	simm.s32 $_size__tile_overlayer_lowered;
	s6 =	simm.s32 $_tile_overlayer_lowered  }
0x9b: {  	s22 =	simm.s32 $0x1BFF;
	s21 =	sshll.u32 s6, $0x1;
	s3 =	sadd.s32 s4, s19  }
0x9c: {  	s7 =	simm.s32 $0x0;
	s20 =	sshll.u32 s5, $0x1;
	s5 =	sadd.s32 s21, s3  }
0x9d: {  	[timem:s7], [sflag:s22] =	dma.local [hbm:s5], s20  }
0x9e: {  	_ =	swait.ge [sflag:s22], s20  }
0x9f: {  	s4 =	ssub.s32 $0x0, s20;
	[sflag:s22] =	ssyncset.done $0x0  }
0xa0: {  	[sflag:s22] =	ssyncadd.s32 s4;
	_ =	sdelay $0x1  }
0xa1: {  	s23 =	simm.s32 $0x1B8B  }
0xa2: {  	_ =	swait.ge [sflag:s23], $0x1  }
0xa3: {  	[sflag:s23] =	ssyncset.done $0x0  }
0xa4: {  	s25 =	simm.s32 $0x1B8E;
	s24 =	sld [smem:$0x3FFE];
	[sflag:s23] =	ssyncadd.s32 $0xFFFFFFFF  }
0xa5: {  	s26 =	simm.s32 $execute0_lowered;
	[smem:$0x3FD2] =	sst s25  }
0xa6: {  	s5 =	sshll.u32 s26, $0x1;
	_ =	strace $0x80000046;
	[dreg:$0x1] =	wrdreg $0xFFFFFFFF  }
0xa7: {  	s28 =	simm.s32 $_size_execute0_lowered;
	s3 =	sadd.s32 s3, s5;
	[dreg:$0x0] =	wrdreg $0x0  }
0xa8: {  	s5 =	sshll.u32 s28, $0x1;
	[dreg:$0x2] =	wrdreg s3  }
0xa9: {  	[dreg:$0x3] =	wrdreg s5  }
0xaa: {  	[dreg:$0x4] =	wrdreg $0xC0  }
0xab: {  	_ =	task [dreg:s7], $0x5FFFF  }
0xac: {  	[dreg:$0x1] =	wrdreg $0xFFFFFFFF  }
0xad: {  	[dreg:$0x0] =	wrdreg $0x60  }
0xae: {  	[dreg:$0x2] =	wrdreg s24  }
0xaf: {  	[dreg:$0x3] =	wrdreg s2  }
0xb0: {  	[dreg:$0x4] =	wrdreg $0x9  }
0xb1: {  	_ =	task.clear_ibuf [dreg:s7], $0x5FFFF;
	_ =	strace $0x90000046  }
0xb2: {  	s29 =	simm.s32 $0x9;
	_ =	strace $0x80000048  }
0xb3: {  	_ =	swait.ge [sflag:s29], $0x1  }
0xb4: {  	[sflag:s29] =	ssyncadd.s32 $0xFFFFFFFF  }
0xb5: {  	_ =	strace $0x90000048  }
0xb6: {  	_ =	sfence  }
0xb7: {  	s30 =	sld [smem:$0x0];
	_ =	sdelay $0x2  }
0xb8: {  	s31 =	sshll.u32 s1, $0xD;
	s1 =	sshrl.u32 s1, $0x2  }
0xb9: {  	s3 =	sand.u32 $0x4000, s31;
	s1 =	sadd.s32 s1, s30  }
0xba: {  	s0 =	sor.u32 s3, s0;
	s1 =	sshll.u32 s1, $0x11  }
0xbb: {  	s0 =	sor.u32 s1, s0  }
0xbc: {  	s0 =	sadd.s32 $0x8F2B, s0  }
0xbd: {  	[sflag:s0] =	ssyncadd.remote.s32 $0x1  }
0xbe: {  	_ =	sfence.sel $0xFFFF  }
0xbf: {  	[dreg:$0x0] =	wrdreg $0xFFFFFFFF;
	(pc) =	sbr.abs _section_cstart, $3  }
0xc0: {  	[dreg:$0x1] =	wrdreg $0xFFFFFFFF  }
0xc1: {  	_ =	task.clear_ibuf [dreg:s7], $0x2FFFF;
	_ =	strace $0x9FFFFFFF  }
0xc2: {  	(tm) =	ssettm $0x7FFFFFFF  }
0xc3: {  	_ =	shalt  }
tec
execute0_lowered:
.L_overlay_start_1:
0x0: {  	(tag) =	ssettag $0x1  }
0x1: {  	s3 =	rddreg [dreg:$0x0]  }
0x2: {  	s8 =	rddreg [dreg:$0x1]  }
0x3: {  	s2 =	srdreg.scid;
	s0 =	rddreg [dreg:$0x2]  }
0x4: {  	s1 =	stileid.u32;
	s12 =	simm.s32 $0x1;
	s13 =	simm.s32 $0x2  }
0x5: {  	s14 =	simm.s32 $0x9400;
	s15 =	simm.s32 $0x3;
	s16 =	simm.s32 $0x4  }
0x6: {  	s17 =	simm.s32 $0x0;
	s4 =	sand.u32 $0x1, s2;
	s2 =	simm.s32 $0x0  }
0x7: {  	s5 =	sshll.u32 s1, $0xA;
	s6 =	sshll.u32 s4, $0x9;
	[smem:$0x7FF] =	sst s2  }
0x8: {  	s4 =	ssub.s32 $0x2, s4;
	s6 =	sor.u32 s6, s5;
	_ =	strace $0x80000047  }
.Ltmp0:
0x9: {  	s7 =	sshrl.u32 s4, $0x1;
	s5 =	sshll.u32 s6, $0x5;
	(pc) =	sbr.rel .LBB2_1-.Ltmp0, $4  }
0xa: {  	s10 =	ssub.s32 s4, s7;
	s11 =	sshrl.u32 s6, $0x3;
	s9 =	sadd.s32 s5, s3  }
0xb: {  	s3 =	sadd.s32 $0x80200, s3;
	s8 =	sadd.s32 s8, s11;
	s11 =	simm.s32 $0x4000  }
0xc: {  	v0 =	vimm.f32 $1.000000000e+00;
	vm0 =	vcmask $0x1F00;
	s4 =	sadd.s32 $0x200, s9;
	s5 =	sadd.s32 $0xA00, s9;
	s6 =	sadd.s32 $0x1200, s9  }
0xd: {  	v0 =	vsel vm0, $0x0, v0;
	vm0 =	vcmask $0x3F3C;
	s7 =	sadd.s32 $0x1A00, s9;
	s9 =	smax.u32 s10, $0x1;
	s10 =	simm.s32 $0x8000  }
.LBB2_8:
0xe: {  	s17 =	sadd.s32 $0x1, s17  }
0xf: {  	p0 =	sne.s32 s17, s9  }
.Ltmp1:
0x10: {  	_ = 	snop;
	(pc) =	sbr.rel @!p0 .LBB2_9-.Ltmp1, $4  }
0x11: {  	[hbm4b:s8+s2] =	stream.linear.scatter [tilespmem:s14], [sflag:$0x4], $0x200, $0x38;
	[tilespmem:$0x9600] =	vst v63  }
0x12: {  	_ =	swait.ge [sflag:s16], $0x200  }
0x13: {  	[sflag:s16] =	ssyncset.done $0x0  }
0x14: {  	[sflag:s16] =	ssyncadd.s32 $0xFFFFFE00  }
.LBB2_1:
0x15: {  	[tilespmem:s10], [sflag:$0x1] =	stream.linear.gather [hbm4b:s3+s2], $0x1400, $0x38;
	[tilespmem:$0x9600] =	vst v63  }
0x16: {  	_ = 	snop  }
0x17: {  	[tilespmem:s2], [sflag:$0x2] =	stream.linear.gather [hbm4b:s4+s2], $0x4000, $0x38;
	[tilespmem:$0x9600] =	vst v63  }
0x18: {  	_ = 	snop  }
0x19: {  	[tilespmem:s11], [sflag:$0x3] =	stream.linear.gather [hbm4b:s5+s2], $0x4000, $0x38;
	[tilespmem:$0x9600] =	vst v63  }
0x1a: {  	_ =	swait.ge [sflag:s12], $0x1400  }
0x1b: {  	s18 =	simm.s32 $0x40;
	[sflag:s12] =	ssyncset.done $0x0  }
0x1c: {  	s19 =	simm.s32 $0x0;
	s20 =	simm.s32 $0x0;
	[sflag:s12] =	ssyncadd.s32 $0xFFFFEC00  }
.LBB2_2:
0x1d: {  	_ =	swait.ge [sflag:s13], $0x4000;
	s21 =	simm.s32 $0x0;
	p0 =	por $0x0, $0x0  }
0x1e: {  	s22 =	smov.u32 s19;
	s23 =	simm.s32 $0x0;
	[sflag:s13] =	ssyncset.done $0x0  }
0x1f: {  	s24 =	simm.s32 $0x0;
	s25 =	simm.s32 $0x0;
	[sflag:s13] =	ssyncadd.s32 $0xFFFFC000  }
.LBB2_3:
0x20: {  	s26 =	sand.u32 $0x3800, s25;
	s28 =	sand.u32 $0x200, s24  }
0x21: {  	s28 =	sor.u32 s28, s26  }
0x22: {  	v1 =	vld [tilespmem:s28+$0x0]  }
0x23: {  	v2 =	vld [tilespmem:s28+$0x10]  }
0x24: {  	v3 =	vld [tilespmem:s28+$0x20]  }
0x25: {  	s29 =	simm.s32 $0x1;
	v4 =	vld [tilespmem:s28+$0x30]  }
0x26: {  	s29 =	simm.s32 @!p0 $0x0;
	v5 =	vld [tilespmem:s28+$0x40]  }
0x27: {  	v6 =	vld [tilespmem:s28+$0x50];
	s29 =	sshll.u32 s29, $0x9  }
0x28: {  	v7 =	vld [tilespmem:s28+$0x60];
	s29 =	sadd.s32 s29, s25  }
0x29: {  	v8 =	vld [tilespmem:s28+$0x70];
	s30 =	sor.u32 $0x400, s29  }
0x2a: {  	s31 =	sor.u32 $0x410, s29;
	v9 =	vld [tilespmem:s30+$0x0]  }
0x2b: {  	v10 =	vld [tilespmem:s31+$0x0];
	s30 =	sor.u32 $0x420, s29  }
0x2c: {  	s31 =	sor.u32 $0x430, s29;
	v11 =	vld [tilespmem:s30+$0x0]  }
0x2d: {  	s29 =	sor.u32 $0x438, s29;
	v12 =	vld [tilespmem:s31+$0x0]  }
0x2e: {  	v13 =	vld [tilespmem:s29+$0x0]  }
0x2f: {  	v1 =	vld.idx.msk [tilespmem:v1+s10+$0x0], $0xffff  }
0x30: {  	v2 =	vld.idx.msk [tilespmem:v2+s10+$0x0], $0xffff  }
0x31: {  	v3 =	vld.idx.msk [tilespmem:v3+s10+$0x0], $0xffff  }
0x32: {  	v4 =	vld.idx.msk [tilespmem:v4+s10+$0x0], $0xffff  }
0x33: {  	v5 =	vld.idx.msk [tilespmem:v5+s10+$0x0], $0xffff  }
0x34: {  	v6 =	vld.idx.msk [tilespmem:v6+s10+$0x0], $0xffff  }
0x35: {  	v7 =	vld.idx.msk [tilespmem:v7+s10+$0x0], $0xffff  }
0x36: {  	v8 =	vld.idx.msk [tilespmem:v8+s10+$0x0], $0xffff  }
0x37: {  	v9 =	vld.idx.msk [tilespmem:v9+s10+$0x0], $0xffff  }
0x38: {  	v10 =	vld.idx.msk [tilespmem:v10+s10+$0x0], $0xffff  }
0x39: {  	v11 =	vld.idx.msk [tilespmem:v11+s10+$0x0], $0xffff  }
0x3a: {  	v12 =	vld.idx.msk [tilespmem:v12+s10+$0x0], $0xffff;
	_ =	sdelay $0x1  }
0x3b: {  	v13 =	vld.idx.msk [tilespmem:v13+s10+$0x0], $0xffff  }
0x3c: {  	v1 =	vadd.f32 v2, v1;
	v2 =	vadd.f32 v4, v3  }
0x3d: {  	v3 =	vadd.f32 v6, v5;
	v18 =	vadd.f32 v8, v7  }
0x3e: {  	v19 =	vadd.f32 v10, v9;
	v20 =	vadd.f32 v12, v11  }
0x3f: {  	v1 =	vadd.f32 v2, v1  }
0x40: {  	v3 =	vadd.f32 v18, v3;
	v2 =	vmul.f32 v0, v13;
	v21 =	vadd.f32 v20, v19;
	_ =	sdelay $0x1  }
0x41: {  	v1 =	vadd.f32 v3, v1;
	v2 =	vadd.f32 v2, v21;
	_ =	sdelay $0x1  }
0x42: {  	v1 =	vadd.f32 v2, v1;
	_ =	sdelay $0x1  }
0x43: {  	(xrf2) =	vadd.scan.msk.f32 $0xffff, v1;
	_ =	sdelay $0x2  }
0x44: {  	v1 =	vmov s22  }
0x45: {  	v1 =	vand.u32 $0xFFFFFFFC, v1  }
0x46: {  	v1 =	vbroadcast v1, $0x0;
	_ =	sdelay $0x3  }
0x47: {  	s30 =	sadd.s32 $0x80, s24  }
0x48: {  	s28 =	sand.u32 $0x280, s30;
	v2, _, _ =	vpop (xrf2)  }
0x49: {  	s31 =	sor.u32 s28, s26;
	[tilespmem:v1+s14+$0x0] =	vst.idx.msk vm0, v2  }
0x4a: {  	v1 =	vld [tilespmem:s31+$0x0]  }
0x4b: {  	v2 =	vld [tilespmem:s31+$0x10]  }
0x4c: {  	v3 =	vld [tilespmem:s31+$0x20]  }
0x4d: {  	s30 =	sand.u32 $0x7, s23;
	v22 =	vld [tilespmem:s31+$0x30]  }
0x4e: {  	s28 =	sshll.u32 s30, $0x7;
	v23 =	vld [tilespmem:s31+$0x40]  }
0x4f: {  	s28 =	sadd.s32 s25, s28;
	v24 =	vld [tilespmem:s31+$0x50]  }
0x50: {  	s30 =	sadd.s32 $0x80, s28;
	v25 =	vld [tilespmem:s31+$0x60]  }
0x51: {  	v26 =	vld [tilespmem:s31+$0x70];
	s31 =	sor.u32 $0x400, s30  }
0x52: {  	v27 =	vld [tilespmem:s31+$0x0];
	s31 =	sor.u32 $0x410, s30  }
0x53: {  	v28 =	vld [tilespmem:s31+$0x0];
	s31 =	sor.u32 $0x420, s30  }
0x54: {  	v29 =	vld [tilespmem:s31+$0x0];
	s31 =	sor.u32 $0x430, s30  }
0x55: {  	s30 =	sor.u32 $0x438, s30;
	v30 =	vld [tilespmem:s31+$0x0]  }
0x56: {  	v31 =	vld [tilespmem:s30+$0x0]  }
0x57: {  	v1 =	vld.idx.msk [tilespmem:v1+s10+$0x0], $0xffff  }
0x58: {  	v2 =	vld.idx.msk [tilespmem:v2+s10+$0x0], $0xffff  }
0x59: {  	v3 =	vld.idx.msk [tilespmem:v3+s10+$0x0], $0xffff  }
0x5a: {  	v4 =	vld.idx.msk [tilespmem:v22+s10+$0x0], $0xffff  }
0x5b: {  	v5 =	vld.idx.msk [tilespmem:v23+s10+$0x0], $0xffff  }
0x5c: {  	v6 =	vld.idx.msk [tilespmem:v24+s10+$0x0], $0xffff  }
0x5d: {  	v7 =	vld.idx.msk [tilespmem:v25+s10+$0x0], $0xffff  }
0x5e: {  	v8 =	vld.idx.msk [tilespmem:v26+s10+$0x0], $0xffff  }
0x5f: {  	v9 =	vld.idx.msk [tilespmem:v27+s10+$0x0], $0xffff  }
0x60: {  	v10 =	vld.idx.msk [tilespmem:v28+s10+$0x0], $0xffff  }
0x61: {  	v11 =	vld.idx.msk [tilespmem:v29+s10+$0x0], $0xffff  }
0x62: {  	v12 =	vld.idx.msk [tilespmem:v30+s10+$0x0], $0xffff;
	_ =	sdelay $0x1  }
0x63: {  	v13 =	vld.idx.msk [tilespmem:v31+s10+$0x0], $0xffff  }
0x64: {  	v1 =	vadd.f32 v2, v1;
	v2 =	vadd.f32 v4, v3  }
0x65: {  	v3 =	vadd.f32 v6, v5;
	v32 =	vadd.f32 v8, v7  }
0x66: {  	v33 =	vadd.f32 v10, v9;
	v34 =	vadd.f32 v12, v11  }
0x67: {  	v1 =	vadd.f32 v2, v1  }
0x68: {  	v3 =	vadd.f32 v32, v3;
	v2 =	vmul.f32 v0, v13;
	v35 =	vadd.f32 v34, v33;
	_ =	sdelay $0x1  }
0x69: {  	v1 =	vadd.f32 v3, v1;
	v2 =	vadd.f32 v2, v35;
	_ =	sdelay $0x1  }
0x6a: {  	v1 =	vadd.f32 v2, v1;
	_ =	sdelay $0x1  }
0x6b: {  	(xrf2) =	vadd.scan.msk.f32 $0xffff, v1;
	_ =	sdelay $0x1  }
0x6c: {  	s31 =	sadd.s32 $0x1, s22  }
0x6d: {  	v1 =	vmov s31  }
0x6e: {  	v1 =	vand.u32 $0xFFFFFFFD, v1  }
0x6f: {  	v1 =	vbroadcast v1, $0x0;
	_ =	sdelay $0x3  }
0x70: {  	s30 =	sadd.s32 $0x100, s24  }
0x71: {  	s29 =	sand.u32 $0x300, s30;
	v2, _, _ =	vpop (xrf2)  }
0x72: {  	s29 =	sor.u32 s29, s26;
	[tilespmem:v1+s14+$0x0] =	vst.idx.msk vm0, v2  }
0x73: {  	v1 =	vld [tilespmem:s29+$0x0]  }
0x74: {  	v2 =	vld [tilespmem:s29+$0x10]  }
0x75: {  	v3 =	vld [tilespmem:s29+$0x20]  }
0x76: {  	s31 =	sand.u32 $0x3, s21;
	v36 =	vld [tilespmem:s29+$0x30]  }
0x77: {  	s30 =	sshll.u32 s31, $0x8;
	v37 =	vld [tilespmem:s29+$0x40]  }
0x78: {  	s30 =	sadd.s32 s25, s30;
	v38 =	vld [tilespmem:s29+$0x50]  }
0x79: {  	s30 =	sadd.s32 $0x100, s30;
	v39 =	vld [tilespmem:s29+$0x60]  }
0x7a: {  	s31 =	sor.u32 $0x400, s30;
	v40 =	vld [tilespmem:s29+$0x70]  }
0x7b: {  	v41 =	vld [tilespmem:s31+$0x0];
	s31 =	sor.u32 $0x410, s30  }
0x7c: {  	v42 =	vld [tilespmem:s31+$0x0];
	s31 =	sor.u32 $0x420, s30  }
0x7d: {  	v43 =	vld [tilespmem:s31+$0x0];
	s31 =	sor.u32 $0x430, s30  }
0x7e: {  	v44 =	vld [tilespmem:s31+$0x0];
	s31 =	sor.u32 $0x438, s30  }
0x7f: {  	v45 =	vld [tilespmem:s31+$0x0]  }
0x80: {  	v1 =	vld.idx.msk [tilespmem:v1+s10+$0x0], $0xffff  }
0x81: {  	v2 =	vld.idx.msk [tilespmem:v2+s10+$0x0], $0xffff  }
0x82: {  	v3 =	vld.idx.msk [tilespmem:v3+s10+$0x0], $0xffff  }
0x83: {  	v4 =	vld.idx.msk [tilespmem:v36+s10+$0x0], $0xffff  }
0x84: {  	v5 =	vld.idx.msk [tilespmem:v37+s10+$0x0], $0xffff  }
0x85: {  	v6 =	vld.idx.msk [tilespmem:v38+s10+$0x0], $0xffff  }
0x86: {  	v7 =	vld.idx.msk [tilespmem:v39+s10+$0x0], $0xffff  }
0x87: {  	v8 =	vld.idx.msk [tilespmem:v40+s10+$0x0], $0xffff  }
0x88: {  	v9 =	vld.idx.msk [tilespmem:v41+s10+$0x0], $0xffff  }
0x89: {  	v10 =	vld.idx.msk [tilespmem:v42+s10+$0x0], $0xffff  }
0x8a: {  	v11 =	vld.idx.msk [tilespmem:v43+s10+$0x0], $0xffff  }
0x8b: {  	v12 =	vld.idx.msk [tilespmem:v44+s10+$0x0], $0xffff;
	_ =	sdelay $0x1  }
0x8c: {  	v13 =	vld.idx.msk [tilespmem:v45+s10+$0x0], $0xffff  }
0x8d: {  	v1 =	vadd.f32 v2, v1;
	v2 =	vadd.f32 v4, v3  }
0x8e: {  	v3 =	vadd.f32 v6, v5;
	v46 =	vadd.f32 v8, v7  }
0x8f: {  	v47 =	vadd.f32 v10, v9;
	v48 =	vadd.f32 v12, v11  }
0x90: {  	v1 =	vadd.f32 v2, v1  }
0x91: {  	v3 =	vadd.f32 v46, v3;
	v2 =	vmul.f32 v0, v13;
	v49 =	vadd.f32 v48, v47;
	_ =	sdelay $0x1  }
0x92: {  	v1 =	vadd.f32 v3, v1;
	v2 =	vadd.f32 v2, v49;
	_ =	sdelay $0x1  }
0x93: {  	v1 =	vadd.f32 v2, v1;
	_ =	sdelay $0x1  }
0x94: {  	(xrf2) =	vadd.scan.msk.f32 $0xffff, v1;
	_ =	sdelay $0x1  }
0x95: {  	s30 =	sadd.s32 $0x2, s22  }
0x96: {  	v1 =	vmov s30  }
0x97: {  	v1 =	vand.u32 $0xFFFFFFFE, v1  }
0x98: {  	v1 =	vbroadcast v1, $0x0;
	_ =	sdelay $0x3  }
0x99: {  	s31 =	sadd.s32 $0x180, s24  }
0x9a: {  	s29 =	sand.u32 $0x380, s31;
	v2, _, _ =	vpop (xrf2)  }
0x9b: {  	s26 =	sor.u32 s29, s26;
	[tilespmem:v1+s14+$0x0] =	vst.idx.msk vm0, v2  }
0x9c: {  	v1 =	vld [tilespmem:s26+$0x0]  }
0x9d: {  	v2 =	vld [tilespmem:s26+$0x10]  }
0x9e: {  	v3 =	vld [tilespmem:s26+$0x20]  }
0x9f: {  	v50 =	vld [tilespmem:s26+$0x30]  }
0xa0: {  	v51 =	vld [tilespmem:s26+$0x40]  }
0xa1: {  	v52 =	vld [tilespmem:s26+$0x50]  }
0xa2: {  	s28 =	sadd.s32 $0x180, s28;
	v53 =	vld [tilespmem:s26+$0x60]  }
0xa3: {  	s29 =	sor.u32 $0x400, s28;
	v54 =	vld [tilespmem:s26+$0x70]  }
0xa4: {  	s30 =	sor.u32 $0x410, s28;
	v55 =	vld [tilespmem:s29+$0x0]  }
0xa5: {  	s31 =	sor.u32 $0x420, s28;
	v56 =	vld [tilespmem:s30+$0x0]  }
0xa6: {  	v57 =	vld [tilespmem:s31+$0x0];
	s29 =	sor.u32 $0x430, s28  }
0xa7: {  	s30 =	sor.u32 $0x438, s28;
	v58 =	vld [tilespmem:s29+$0x0]  }
0xa8: {  	v59 =	vld [tilespmem:s30+$0x0]  }
0xa9: {  	v1 =	vld.idx.msk [tilespmem:v1+s10+$0x0], $0xffff  }
0xaa: {  	v2 =	vld.idx.msk [tilespmem:v2+s10+$0x0], $0xffff  }
0xab: {  	v3 =	vld.idx.msk [tilespmem:v3+s10+$0x0], $0xffff  }
0xac: {  	v4 =	vld.idx.msk [tilespmem:v50+s10+$0x0], $0xffff  }
0xad: {  	v5 =	vld.idx.msk [tilespmem:v51+s10+$0x0], $0xffff  }
0xae: {  	v6 =	vld.idx.msk [tilespmem:v52+s10+$0x0], $0xffff  }
0xaf: {  	v7 =	vld.idx.msk [tilespmem:v53+s10+$0x0], $0xffff  }
0xb0: {  	v8 =	vld.idx.msk [tilespmem:v54+s10+$0x0], $0xffff  }
0xb1: {  	v9 =	vld.idx.msk [tilespmem:v55+s10+$0x0], $0xffff  }
0xb2: {  	v10 =	vld.idx.msk [tilespmem:v56+s10+$0x0], $0xffff  }
0xb3: {  	v11 =	vld.idx.msk [tilespmem:v57+s10+$0x0], $0xffff  }
0xb4: {  	v12 =	vld.idx.msk [tilespmem:v58+s10+$0x0], $0xffff;
	_ =	sdelay $0x1  }
0xb5: {  	v13 =	vld.idx.msk [tilespmem:v59+s10+$0x0], $0xffff  }
0xb6: {  	v1 =	vadd.f32 v2, v1;
	v2 =	vadd.f32 v4, v3  }
0xb7: {  	v3 =	vadd.f32 v6, v5;
	v60 =	vadd.f32 v8, v7  }
0xb8: {  	v61 =	vadd.f32 v10, v9;
	v62 =	vadd.f32 v12, v11  }
0xb9: {  	v1 =	vadd.f32 v2, v1  }
0xba: {  	v2 =	vmul.f32 v0, v13;
	v3 =	vadd.f32 v60, v3;
	v63 =	vadd.f32 v62, v61;
	_ =	sdelay $0x1  }
0xbb: {  	v1 =	vadd.f32 v3, v1;
	v2 =	vadd.f32 v2, v63;
	_ =	sdelay $0x1  }
0xbc: {  	v1 =	vadd.f32 v2, v1;
	_ =	sdelay $0x1  }
0xbd: {  	(xrf2) =	vadd.scan.msk.f32 $0xffff, v1;
	_ =	sdelay $0x4  }
0xbe: {  	s31 =	sadd.s32 $0x3, s22  }
0xbf: {  	p1 =	sne.s32 s25, $0x3C00;
	v1 =	vmov s31  }
.Ltmp2:
0xc0: {  	_ = 	snop;
	(pc) =	sbr.rel @p1 .LBB2_3-.Ltmp2, $3  }
0xc1: {  	_ =	sdelay $0x1  }
0xc2: {  	p0 =	por !p0, !p0;
	s23 =	sadd.s32 $0x4, s23;
	s21 =	sadd.s32 $0x2, s21;
	v2, _, _ =	vpop (xrf2)  }
0xc3: {  	s25 =	sadd.s32 $0x400, s25;
	s24 =	sadd.s32 $0x200, s24;
	s22 =	sadd.s32 $0x4, s22;
	[tilespmem:v1+s14+$0x0] =	vst.idx.msk vm0, v2  }
0xc4: {  	s21 =	sshll.u32 s20, $0xC;
	p0 =	seq.s32 s20, $0x3  }
0xc5: {  	s22 =	sadd.s32 @!p0 s21, s6;
	s23 =	simm.s32 @!p0 $0x0  }
0xc6: {  	[tilespmem:s23], [sflag:$0x2] =	stream.linear.gather @!p0 [hbm4b:s22+s23], $0x4000, $0x38;
	[tilespmem:$0x9600] =	vst v63  }
0xc7: {  	p1 =	por $0x0, $0x0;
	s24 =	simm.s32 $0x0;
	_ =	swait.ge [sflag:s15], $0x4000  }
0xc8: {  	s25 =	simm.s32 $0x0;
	s26 =	simm.s32 $0x0;
	[sflag:s15] =	ssyncset.done $0x0  }
0xc9: {  	s22 =	simm.s32 $0x0;
	s23 =	smov.u32 s18;
	[sflag:s15] =	ssyncadd.s32 $0xFFFFC000  }
.LBB2_5:
0xca: {  	s28 =	sand.u32 $0x3800, s26;
	s29 =	sand.u32 $0x200, s25  }
0xcb: {  	s29 =	sor.u32 s29, s28  }
0xcc: {  	v1 =	vld [tilespmem:s29+$0x4000]  }
0xcd: {  	v2 =	vld [tilespmem:s29+$0x4010]  }
0xce: {  	v3 =	vld [tilespmem:s29+$0x4020]  }
0xcf: {  	s30 =	simm.s32 $0x1;
	v4 =	vld [tilespmem:s29+$0x4030]  }
0xd0: {  	s30 =	simm.s32 @!p1 $0x0;
	v5 =	vld [tilespmem:s29+$0x4040]  }
0xd1: {  	v6 =	vld [tilespmem:s29+$0x4050];
	s30 =	sshll.u32 s30, $0x9  }
0xd2: {  	v7 =	vld [tilespmem:s29+$0x4060];
	s30 =	sadd.s32 s30, s26  }
0xd3: {  	v8 =	vld [tilespmem:s29+$0x4070];
	s31 =	sor.u32 $0x4400, s30  }
0xd4: {  	v9 =	vld [tilespmem:s31+$0x0]  }
0xd5: {  	v10 =	vld [tilespmem:s31+$0x10]  }
0xd6: {  	v11 =	vld [tilespmem:s31+$0x20]  }
0xd7: {  	v12 =	vld [tilespmem:s31+$0x30]  }
0xd8: {  	v13 =	vld [tilespmem:s31+$0x38]  }
0xd9: {  	v1 =	vld.idx.msk [tilespmem:v1+s10+$0x0], $0xffff  }
0xda: {  	v2 =	vld.idx.msk [tilespmem:v2+s10+$0x0], $0xffff  }
0xdb: {  	v3 =	vld.idx.msk [tilespmem:v3+s10+$0x0], $0xffff  }
0xdc: {  	v4 =	vld.idx.msk [tilespmem:v4+s10+$0x0], $0xffff  }
0xdd: {  	v5 =	vld.idx.msk [tilespmem:v5+s10+$0x0], $0xffff  }
0xde: {  	v6 =	vld.idx.msk [tilespmem:v6+s10+$0x0], $0xffff  }
0xdf: {  	v7 =	vld.idx.msk [tilespmem:v7+s10+$0x0], $0xffff  }
0xe0: {  	v8 =	vld.idx.msk [tilespmem:v8+s10+$0x0], $0xffff  }
0xe1: {  	v9 =	vld.idx.msk [tilespmem:v9+s10+$0x0], $0xffff  }
0xe2: {  	v10 =	vld.idx.msk [tilespmem:v10+s10+$0x0], $0xffff  }
0xe3: {  	v11 =	vld.idx.msk [tilespmem:v11+s10+$0x0], $0xffff  }
0xe4: {  	v12 =	vld.idx.msk [tilespmem:v12+s10+$0x0], $0xffff;
	_ =	sdelay $0x1  }
0xe5: {  	v13 =	vld.idx.msk [tilespmem:v13+s10+$0x0], $0xffff  }
0xe6: {  	v1 =	vadd.f32 v2, v1;
	v2 =	vadd.f32 v4, v3  }
0xe7: {  	v3 =	vadd.f32 v6, v5;
	v18 =	vadd.f32 v8, v7  }
0xe8: {  	v19 =	vadd.f32 v10, v9;
	v20 =	vadd.f32 v12, v11  }
0xe9: {  	v1 =	vadd.f32 v2, v1  }
0xea: {  	v3 =	vadd.f32 v18, v3;
	v2 =	vmul.f32 v0, v13;
	v21 =	vadd.f32 v20, v19;
	_ =	sdelay $0x1  }
0xeb: {  	v1 =	vadd.f32 v3, v1;
	v2 =	vadd.f32 v2, v21;
	_ =	sdelay $0x1  }
0xec: {  	v1 =	vadd.f32 v2, v1;
	_ =	sdelay $0x1  }
0xed: {  	(xrf2) =	vadd.scan.msk.f32 $0xffff, v1;
	_ =	sdelay $0x2  }
0xee: {  	v1 =	vmov s23  }
0xef: {  	v1 =	vand.u32 $0xFFFFFFFC, v1  }
0xf0: {  	v1 =	vbroadcast v1, $0x0;
	_ =	sdelay $0x3  }
0xf1: {  	s30 =	sadd.s32 $0x80, s25  }
0xf2: {  	s29 =	sand.u32 $0x280, s30;
	v2, _, _ =	vpop (xrf2)  }
0xf3: {  	s30 =	sor.u32 s29, s28;
	[tilespmem:v1+s14+$0x0] =	vst.idx.msk vm0, v2  }
0xf4: {  	v1 =	vld [tilespmem:s30+$0x4000]  }
0xf5: {  	v2 =	vld [tilespmem:s30+$0x4010]  }
0xf6: {  	v3 =	vld [tilespmem:s30+$0x4020]  }
0xf7: {  	s31 =	sand.u32 $0x7, s24;
	v22 =	vld [tilespmem:s30+$0x4030]  }
0xf8: {  	s29 =	sshll.u32 s31, $0x7;
	v23 =	vld [tilespmem:s30+$0x4040]  }
0xf9: {  	s29 =	sadd.s32 s26, s29;
	v24 =	vld [tilespmem:s30+$0x4050]  }
0xfa: {  	s31 =	sadd.s32 $0x80, s29;
	v25 =	vld [tilespmem:s30+$0x4060]  }
0xfb: {  	s31 =	sor.u32 $0x4400, s31;
	v26 =	vld [tilespmem:s30+$0x4070]  }
0xfc: {  	v27 =	vld [tilespmem:s31+$0x0]  }
0xfd: {  	v28 =	vld [tilespmem:s31+$0x10]  }
0xfe: {  	v29 =	vld [tilespmem:s31+$0x20]  }
0xff: {  	v30 =	vld [tilespmem:s31+$0x30]  }
0x100: {  	v31 =	vld [tilespmem:s31+$0x38]  }
0x101: {  	v1 =	vld.idx.msk [tilespmem:v1+s10+$0x0], $0xffff  }
0x102: {  	v2 =	vld.idx.msk [tilespmem:v2+s10+$0x0], $0xffff  }
0x103: {  	v3 =	vld.idx.msk [tilespmem:v3+s10+$0x0], $0xffff  }
0x104: {  	v4 =	vld.idx.msk [tilespmem:v22+s10+$0x0], $0xffff  }
0x105: {  	v5 =	vld.idx.msk [tilespmem:v23+s10+$0x0], $0xffff  }
0x106: {  	v6 =	vld.idx.msk [tilespmem:v24+s10+$0x0], $0xffff  }
0x107: {  	v7 =	vld.idx.msk [tilespmem:v25+s10+$0x0], $0xffff  }
0x108: {  	v8 =	vld.idx.msk [tilespmem:v26+s10+$0x0], $0xffff  }
0x109: {  	v9 =	vld.idx.msk [tilespmem:v27+s10+$0x0], $0xffff  }
0x10a: {  	v10 =	vld.idx.msk [tilespmem:v28+s10+$0x0], $0xffff  }
0x10b: {  	v11 =	vld.idx.msk [tilespmem:v29+s10+$0x0], $0xffff  }
0x10c: {  	v12 =	vld.idx.msk [tilespmem:v30+s10+$0x0], $0xffff;
	_ =	sdelay $0x1  }
0x10d: {  	v13 =	vld.idx.msk [tilespmem:v31+s10+$0x0], $0xffff  }
0x10e: {  	v1 =	vadd.f32 v2, v1;
	v2 =	vadd.f32 v4, v3  }
0x10f: {  	v3 =	vadd.f32 v6, v5;
	v32 =	vadd.f32 v8, v7  }
0x110: {  	v33 =	vadd.f32 v10, v9;
	v34 =	vadd.f32 v12, v11  }
0x111: {  	v1 =	vadd.f32 v2, v1  }
0x112: {  	v2 =	vmul.f32 v0, v13;
	v3 =	vadd.f32 v32, v3;
	v35 =	vadd.f32 v34, v33;
	_ =	sdelay $0x1  }
0x113: {  	v1 =	vadd.f32 v3, v1;
	v2 =	vadd.f32 v2, v35;
	_ =	sdelay $0x1  }
0x114: {  	v1 =	vadd.f32 v2, v1;
	_ =	sdelay $0x1  }
0x115: {  	(xrf2) =	vadd.scan.msk.f32 $0xffff, v1;
	_ =	sdelay $0x1  }
0x116: {  	s31 =	sadd.s32 $0x1, s23  }
0x117: {  	v1 =	vmov s31  }
0x118: {  	v1 =	vand.u32 $0xFFFFFFFD, v1  }
0x119: {  	v1 =	vbroadcast v1, $0x0;
	_ =	sdelay $0x3  }
0x11a: {  	s31 =	sadd.s32 $0x100, s25  }
0x11b: {  	s30 =	sand.u32 $0x300, s31;
	v2, _, _ =	vpop (xrf2)  }
0x11c: {  	s30 =	sor.u32 s30, s28;
	[tilespmem:v1+s14+$0x0] =	vst.idx.msk vm0, v2  }
0x11d: {  	v1 =	vld [tilespmem:s30+$0x4000]  }
0x11e: {  	v2 =	vld [tilespmem:s30+$0x4010]  }
0x11f: {  	v3 =	vld [tilespmem:s30+$0x4020]  }
0x120: {  	s31 =	sand.u32 $0x3, s22;
	v36 =	vld [tilespmem:s30+$0x4030]  }
0x121: {  	s31 =	sshll.u32 s31, $0x8;
	v37 =	vld [tilespmem:s30+$0x4040]  }
0x122: {  	s31 =	sadd.s32 s26, s31;
	v38 =	vld [tilespmem:s30+$0x4050]  }
0x123: {  	s31 =	sadd.s32 $0x100, s31;
	v39 =	vld [tilespmem:s30+$0x4060]  }
0x124: {  	s31 =	sor.u32 $0x4400, s31;
	v40 =	vld [tilespmem:s30+$0x4070]  }
0x125: {  	v41 =	vld [tilespmem:s31+$0x0]  }
0x126: {  	v42 =	vld [tilespmem:s31+$0x10]  }
0x127: {  	v43 =	vld [tilespmem:s31+$0x20]  }
0x128: {  	v44 =	vld [tilespmem:s31+$0x30]  }
0x129: {  	v45 =	vld [tilespmem:s31+$0x38]  }
0x12a: {  	v1 =	vld.idx.msk [tilespmem:v1+s10+$0x0], $0xffff  }
0x12b: {  	v2 =	vld.idx.msk [tilespmem:v2+s10+$0x0], $0xffff  }
0x12c: {  	v3 =	vld.idx.msk [tilespmem:v3+s10+$0x0], $0xffff  }
0x12d: {  	v4 =	vld.idx.msk [tilespmem:v36+s10+$0x0], $0xffff  }
0x12e: {  	v5 =	vld.idx.msk [tilespmem:v37+s10+$0x0], $0xffff  }
0x12f: {  	v6 =	vld.idx.msk [tilespmem:v38+s10+$0x0], $0xffff  }
0x130: {  	v7 =	vld.idx.msk [tilespmem:v39+s10+$0x0], $0xffff  }
0x131: {  	v8 =	vld.idx.msk [tilespmem:v40+s10+$0x0], $0xffff  }
0x132: {  	v9 =	vld.idx.msk [tilespmem:v41+s10+$0x0], $0xffff  }
0x133: {  	v10 =	vld.idx.msk [tilespmem:v42+s10+$0x0], $0xffff  }
0x134: {  	v11 =	vld.idx.msk [tilespmem:v43+s10+$0x0], $0xffff  }
0x135: {  	v12 =	vld.idx.msk [tilespmem:v44+s10+$0x0], $0xffff;
	_ =	sdelay $0x1  }
0x136: {  	v13 =	vld.idx.msk [tilespmem:v45+s10+$0x0], $0xffff  }
0x137: {  	v1 =	vadd.f32 v2, v1;
	v2 =	vadd.f32 v4, v3  }
0x138: {  	v3 =	vadd.f32 v6, v5;
	v46 =	vadd.f32 v8, v7  }
0x139: {  	v47 =	vadd.f32 v10, v9;
	v48 =	vadd.f32 v12, v11  }
0x13a: {  	v1 =	vadd.f32 v2, v1  }
0x13b: {  	v2 =	vmul.f32 v0, v13;
	v3 =	vadd.f32 v46, v3;
	v49 =	vadd.f32 v48, v47;
	_ =	sdelay $0x1  }
0x13c: {  	v1 =	vadd.f32 v3, v1;
	v2 =	vadd.f32 v2, v49;
	_ =	sdelay $0x1  }
0x13d: {  	v1 =	vadd.f32 v2, v1;
	_ =	sdelay $0x1  }
0x13e: {  	(xrf2) =	vadd.scan.msk.f32 $0xffff, v1;
	_ =	sdelay $0x1  }
0x13f: {  	s31 =	sadd.s32 $0x2, s23  }
0x140: {  	v1 =	vmov s31  }
0x141: {  	v1 =	vand.u32 $0xFFFFFFFE, v1  }
0x142: {  	v1 =	vbroadcast v1, $0x0;
	_ =	sdelay $0x3  }
0x143: {  	s31 =	sadd.s32 $0x180, s25  }
0x144: {  	s30 =	sand.u32 $0x380, s31;
	v2, _, _ =	vpop (xrf2)  }
0x145: {  	s28 =	sor.u32 s30, s28;
	[tilespmem:v1+s14+$0x0] =	vst.idx.msk vm0, v2  }
0x146: {  	v1 =	vld [tilespmem:s28+$0x4000]  }
0x147: {  	v2 =	vld [tilespmem:s28+$0x4010]  }
0x148: {  	v3 =	vld [tilespmem:s28+$0x4020]  }
0x149: {  	v50 =	vld [tilespmem:s28+$0x4030]  }
0x14a: {  	v51 =	vld [tilespmem:s28+$0x4040]  }
0x14b: {  	v52 =	vld [tilespmem:s28+$0x4050]  }
0x14c: {  	s29 =	sadd.s32 $0x180, s29;
	v53 =	vld [tilespmem:s28+$0x4060]  }
0x14d: {  	s30 =	sor.u32 $0x4400, s29;
	v54 =	vld [tilespmem:s28+$0x4070]  }
0x14e: {  	v55 =	vld [tilespmem:s30+$0x0]  }
0x14f: {  	v56 =	vld [tilespmem:s30+$0x10]  }
0x150: {  	v57 =	vld [tilespmem:s30+$0x20]  }
0x151: {  	v58 =	vld [tilespmem:s30+$0x30]  }
0x152: {  	v59 =	vld [tilespmem:s30+$0x38]  }
0x153: {  	v1 =	vld.idx.msk [tilespmem:v1+s10+$0x0], $0xffff  }
0x154: {  	v2 =	vld.idx.msk [tilespmem:v2+s10+$0x0], $0xffff  }
0x155: {  	v3 =	vld.idx.msk [tilespmem:v3+s10+$0x0], $0xffff  }
0x156: {  	v4 =	vld.idx.msk [tilespmem:v50+s10+$0x0], $0xffff  }
0x157: {  	v5 =	vld.idx.msk [tilespmem:v51+s10+$0x0], $0xffff  }
0x158: {  	v6 =	vld.idx.msk [tilespmem:v52+s10+$0x0], $0xffff  }
0x159: {  	v7 =	vld.idx.msk [tilespmem:v53+s10+$0x0], $0xffff  }
0x15a: {  	v8 =	vld.idx.msk [tilespmem:v54+s10+$0x0], $0xffff  }
0x15b: {  	v9 =	vld.idx.msk [tilespmem:v55+s10+$0x0], $0xffff  }
0x15c: {  	v10 =	vld.idx.msk [tilespmem:v56+s10+$0x0], $0xffff  }
0x15d: {  	v11 =	vld.idx.msk [tilespmem:v57+s10+$0x0], $0xffff  }
0x15e: {  	v12 =	vld.idx.msk [tilespmem:v58+s10+$0x0], $0xffff;
	_ =	sdelay $0x1  }
0x15f: {  	v13 =	vld.idx.msk [tilespmem:v59+s10+$0x0], $0xffff  }
0x160: {  	v1 =	vadd.f32 v2, v1;
	v2 =	vadd.f32 v4, v3  }
0x161: {  	v3 =	vadd.f32 v6, v5;
	v60 =	vadd.f32 v8, v7  }
0x162: {  	v61 =	vadd.f32 v10, v9;
	v62 =	vadd.f32 v12, v11  }
0x163: {  	v1 =	vadd.f32 v2, v1  }
0x164: {  	v2 =	vmul.f32 v0, v13;
	v3 =	vadd.f32 v60, v3;
	v63 =	vadd.f32 v62, v61;
	_ =	sdelay $0x1  }
0x165: {  	v1 =	vadd.f32 v3, v1;
	v2 =	vadd.f32 v2, v63;
	_ =	sdelay $0x1  }
0x166: {  	v1 =	vadd.f32 v2, v1;
	_ =	sdelay $0x1  }
0x167: {  	(xrf2) =	vadd.scan.msk.f32 $0xffff, v1;
	_ =	sdelay $0x4  }
0x168: {  	s31 =	sadd.s32 $0x3, s23  }
0x169: {  	p2 =	sne.s32 s26, $0x3C00;
	v1 =	vmov s31  }
.Ltmp3:
0x16a: {  	_ = 	snop;
	(pc) =	sbr.rel @p2 .LBB2_5-.Ltmp3, $3  }
0x16b: {  	_ =	sdelay $0x1  }
0x16c: {  	p1 =	por !p1, !p1;
	s24 =	sadd.s32 $0x4, s24;
	s22 =	sadd.s32 $0x2, s22;
	v2, _, _ =	vpop (xrf2)  }
0x16d: {  	s26 =	sadd.s32 $0x400, s26;
	s25 =	sadd.s32 $0x200, s25;
	s23 =	sadd.s32 $0x4, s23;
	[tilespmem:v1+s14+$0x0] =	vst.idx.msk vm0, v2  }
.Ltmp4:
0x16e: {  	(pc) =	sbr.rel @p0 .LBB2_8-.Ltmp4, $1  }
0x16f: {  	_ =	sdelay $0x3  }
.Ltmp5:
0x170: {  	(pc) =	sbr.rel .LBB2_2-.Ltmp5, $4  }
0x171: {  	_ = 	snop  }
0x172: {  	s21 =	sadd.s32 s21, s7  }
0x173: {  	s20 =	sadd.s32 $0x1, s20;
	s19 =	sadd.s32 $0x80, s19;
	s18 =	sadd.s32 $0x80, s18  }
0x174: {  	[tilespmem:s11], [sflag:$0x3] =	stream.linear.gather [hbm4b:s21+s2], $0x4000, $0x38;
	[tilespmem:$0x9600] =	vst v63  }
.LBB2_9:
0x175: {  	_ =	sfence.sel $0x180000  }
0x176: {  	[bflag:$0x0] =	sbarrier.arrive $0xFFFF  }
0x177: {  	p0 =	sne.s32 s1, $0x0;
	_ =	strace $0x90000047  }
0x178: {  	s0 =	sadd.s32 @!p0 $0x100000, s0;
	[bflag:$0x2] =	sbarrier.arrive $0xFFFF  }
0x179: {  	[sflag:s0] =	ssyncadd.tile.s32 @!p0 $0x1;
	_ =	shalt  }
.Lfunc_end2:
_tile_overlayer_lowered:
.L_overlay_start_2:
0x17a: {  	(tag) =	ssettag $0x2  }
0x17b: {  	s0 =	rddreg [dreg:$0x0];
	s2 =	stileid.u32  }
0x17c: {  	s1 =	rddreg [dreg:$0x1];
	p0 =	sne.s32 s2, $0x0  }
0x17d: {  	s3 =	rddreg [dreg:$0x2];
	[bflag:$0x3] =	sbarrier.arrive $0xFFFF;
	s2 =	simm.s32 @!p0 $0x1C04  }
0x17e: {  	[timem:s3], [sflag:s2] =	dma.local @!p0 [hbm:s0], s1  }
0x17f: {  	s0 =	simm.s32 @!p0 $0x4  }
0x180: {  	_ =	swait.ge @!p0 [sflag:s0], s1  }
0x181: {  	s1 =	ssub.s32 @!p0 $0x0, s1;
	[sflag:s0] =	ssyncset.done @!p0 $0x0  }
0x182: {  	[sflag:s0] =	ssyncadd.s32 @!p0 s1  }
0x183: {  	[bflag:$0x3] =	sbarrier.arrive $0xFFFF  }
0x184: {  	_ =	shalt  }

</sc_bundles>
